<compile_context>
chip_gen: v7x
topology: tpu7x:2x2x1
jax: 0.10.2.dev20260603
libtpu: 0.0.44.dev20260713+nightly
codegen_flags: <defaults>
</compile_context>

<pallas_src>
import jax
import jax.numpy as jnp
from jax import lax
from jax.experimental import pallas as pl
from jax.experimental.pallas import tpu as pltpu
from jax.experimental.pallas import tpu_sc as plsc

NUM_SEQ = 65536
NUM_LABEL = 32
BLANK = 0

_INFO = plsc.get_sparse_core_info()
NC = _INFO.num_cores
NS = _INFO.num_subcores
LANES = _INFO.num_lanes
NW = NC * NS
ROWS_W = NUM_SEQ // NW
WORDS_W = ROWS_W * NUM_LABEL
BLOCKS_W = ROWS_W // LANES


def _tree(op, xs):
    while len(xs) > 1:
        xs = [op(xs[a], xs[a + 1]) for a in range(0, len(xs), 2)]
    return xs[0]


def _argmax16(vals, labels):
    rmax = _tree(jnp.maximum, list(vals))
    big = jnp.full((16,), NUM_LABEL, jnp.int32)
    cands = [jnp.where(vals[j] == rmax, labels[j], big)
             for j in range(len(vals))]
    return rmax, _tree(jnp.minimum, cands)


def _body(em_hbm, idx_hbm, keep_hbm, em_buf, idx_buf, keep_buf, brow):
    c = lax.axis_index("c")
    s = lax.axis_index("s")
    wid = s * NC + c
    base_row = wid * ROWS_W

    pltpu.sync_copy(em_hbm.at[pl.ds(base_row * NUM_LABEL, WORDS_W)], em_buf)

    prev_off = jnp.where(wid == 0, 0, (base_row - 1) * NUM_LABEL)
    pltpu.sync_copy(em_hbm.at[pl.ds(prev_off, NUM_LABEL)], brow)

    lane = lax.iota(jnp.int32, 16)
    v0 = brow[pl.ds(0, 16)]
    v1 = brow[pl.ds(16, 16)]
    rmax = jnp.maximum(jnp.max(v0), jnp.max(v1))
    big = jnp.int32(NUM_LABEL)
    cand0 = jnp.where(v0 == rmax, lane, big)
    cand1 = jnp.where(v1 == rmax, lane + 16, big)
    halo_idx = jnp.minimum(jnp.min(cand0), jnp.min(cand1))
    halo_idx = jnp.where(wid == 0, jnp.int32(-1), halo_idx)
    plsc.store_scatter(
        idx_buf,
        [jnp.full((16,), 7, jnp.int32)],
        jnp.broadcast_to(halo_idx, (16,)),
        mask=lane == 0,
    )

    labels = [(lane + j) & (NUM_LABEL - 1) for j in range(NUM_LABEL)]
    addrs = [lane * NUM_LABEL + labels[j] for j in range(NUM_LABEL)]

    def blk(p, carry):
        base = p * (LANES * NUM_LABEL)
        vals = [plsc.load_gather(em_buf, [addrs[j] + base])
                for j in range(NUM_LABEL)]
        _, bi = _argmax16(vals, labels)
        off = p * LANES
        idx_buf[pl.ds(8 + off, 16)] = bi
        prev = plsc.load_gather(idx_buf, [lane + (7 + off)])
        keep = jnp.logical_and(bi != prev, bi != BLANK)
        keep_buf[pl.ds(off, 16)] = keep.astype(jnp.int32)
        return carry

    lax.fori_loop(0, BLOCKS_W, blk, 0)

    pltpu.sync_copy(idx_buf.at[pl.ds(8, ROWS_W)], idx_hbm.at[pl.ds(base_row, ROWS_W)])
    pltpu.sync_copy(keep_buf, keep_hbm.at[pl.ds(base_row, ROWS_W)])


@jax.jit
def _decode(em_flat):
    k = pl.kernel(
        _body,
        out_type=[
            jax.ShapeDtypeStruct((NUM_SEQ,), jnp.int32),
            jax.ShapeDtypeStruct((NUM_SEQ,), jnp.int32),
        ],
        mesh=plsc.VectorSubcoreMesh(core_axis_name="c", subcore_axis_name="s"),
        compiler_params=pltpu.CompilerParams(needs_layout_passes=False),
        scratch_types=[
            pltpu.VMEM((WORDS_W,), jnp.float32),
            pltpu.VMEM((8 + ROWS_W,), jnp.int32),
            pltpu.VMEM((ROWS_W,), jnp.int32),
            pltpu.VMEM((NUM_LABEL,), jnp.float32),
        ],
    )
    return k(em_flat)


def kernel(emission):
    idx, keep = _decode(emission.reshape(-1))
    return idx, keep.astype(jnp.bool_)

# --- scband reference (transcript-rebuilt; emitter-appended) ---
"""Pipeline reference for scband-greedy-ctcdecoder-74174085202001 (READ-ONLY COPY).

The authoritative reference and input builder live on the scoring server;
editing this copy changes nothing except your own understanding.
"""

import jax, jax.numpy as jnp
import numpy as np

NUM_SEQ = 65536
NUM_LABEL = 32
BLANK = 0


def setup_inputs(seed: int = 0) -> dict:
    key = jax.random.key(seed)
    emission = jax.random.normal(key, (NUM_SEQ, NUM_LABEL), dtype=jnp.float32)
    return {"emission": emission}


def reference(emission):
    # Faithful greedy CTC decode, expressed as arrays instead of Python strings:
    # 1) best label per frame (argmax)
    indices = jnp.argmax(emission, axis=-1)
    # 2) unique_consecutive: keep a frame only if it differs from the previous frame
    prev = jnp.concatenate([jnp.full((1,), -1, dtype=indices.dtype), indices[:-1]])
    not_repeat = indices != prev
    # 3) drop blank tokens
    not_blank = indices != BLANK
    keep = not_repeat & not_blank
    # The host-side string join ''.join(labels[i]) is a trivial lookup over the
    # kept indices; we return the decoded index stream and its validity mask,
    # which fully determines the transcript.
    return indices, keep

if __name__ == "__main__":
    import jax
    _d = setup_inputs()
    print(jax.jit(kernel)(*tuple(_d.values())))

</pallas_src>

<mosaic_0001>
#map = affine_map<(d0, d1) -> (0)>
module attributes {stable_mosaic.version = 14 : i64} {
  func.func @_body(%arg0: i32, %arg1: i32, %arg2: memref<2097152xf32, #tpu.memory_space<hbm>>, %arg3: memref<65536xi32, #tpu.memory_space<hbm>>, %arg4: memref<65536xi32, #tpu.memory_space<hbm>>, %arg5: memref<65536xf32, #tpu.memory_space<vmem>>, %arg6: memref<2056xi32, #tpu.memory_space<vmem>>, %arg7: memref<2048xi32, #tpu.memory_space<vmem>>, %arg8: memref<32xf32, #tpu.memory_space<vmem>>) attributes {dimension_semantics = [#tpu.dimension_semantics<core_parallel>, #tpu.dimension_semantics<subcore_parallel>], iteration_bounds = array<i64: 2, 16>, scalar_prefetch = 0 : i64, scratch_operands = 4 : i64, tpu.core_type = #tpu.core_type<sc_vector_subcore>, window_params = [{transform_indices = #map}, {transform_indices = #map}, {transform_indices = #map}]} {
    %mul3A = arith.constant 2 : i32
    %mul3A_0 = arith.muli %arg1, %mul3A : i32
    %add3A = arith.addi %mul3A_0, %arg0 : i32
    %mul3A_1 = arith.constant 2048 : i32
    %mul3A_2 = arith.muli %add3A, %mul3A_1 : i32
    %mul3A_3 = arith.constant 32 : i32
    %mul3A_4 = arith.muli %mul3A_2, %mul3A_3 : i32
    "tpu.region"() ({
      %run_scoped3A = tpu.sem_alloc : memref<!tpu.dma_semaphore, #tpu.memory_space<semaphore_mem>>
      %dma_start3A = tpu.memref_slice %arg2[%mul3A_4] : memref<2097152xf32, #tpu.memory_space<hbm>> -> memref<65536xf32, #tpu.memory_space<hbm>>
      %dma_start3A_380 = tpu.memref_slice %arg2[%mul3A_4] : memref<2097152xf32, #tpu.memory_space<hbm>> -> memref<65536xf32, #tpu.memory_space<hbm>>
      tpu.enqueue_dma source(%dma_start3A_380 : memref<65536xf32, #tpu.memory_space<hbm>>) target(%arg5 : memref<65536xf32, #tpu.memory_space<vmem>>) target_semaphore(%run_scoped3A : memref<!tpu.dma_semaphore, #tpu.memory_space<semaphore_mem>>)
      %dma_wait3A = tpu.memref_slice %arg2[%mul3A_4] : memref<2097152xf32, #tpu.memory_space<hbm>> -> memref<65536xf32, #tpu.memory_space<hbm>>
      %dma_wait3A_381 = tpu.memref_slice %arg2[%mul3A_4] : memref<2097152xf32, #tpu.memory_space<hbm>> -> memref<65536xf32, #tpu.memory_space<hbm>>
      tpu.wait_dma2 semaphore(%run_scoped3A : memref<!tpu.dma_semaphore, #tpu.memory_space<semaphore_mem>>) src(%dma_wait3A_381 : memref<65536xf32, #tpu.memory_space<hbm>>) dst(%arg5 : memref<65536xf32, #tpu.memory_space<vmem>>)
      tpu.yield
    }) : () -> ()
    %eq3A = arith.constant 0 : i32
    %eq3A_5 = arith.cmpi eq, %add3A, %eq3A : i32
    %sub3A = arith.constant 1 : i32
    %sub3A_6 = arith.subi %mul3A_2, %sub3A : i32
    %mul3A_7 = arith.constant 32 : i32
    %mul3A_8 = arith.muli %sub3A_6, %mul3A_7 : i32
    %jit3A = arith.constant 0 : i32
    %select_n3A = arith.select %eq3A_5, %jit3A, %mul3A_8 : i32
    "tpu.region"() ({
      %run_scoped3A = tpu.sem_alloc : memref<!tpu.dma_semaphore, #tpu.memory_space<semaphore_mem>>
      %dma_start3A = tpu.memref_slice %arg2[%select_n3A] : memref<2097152xf32, #tpu.memory_space<hbm>> -> memref<32xf32, #tpu.memory_space<hbm>>
      %dma_start3A_380 = tpu.memref_slice %arg2[%select_n3A] : memref<2097152xf32, #tpu.memory_space<hbm>> -> memref<32xf32, #tpu.memory_space<hbm>>
      tpu.enqueue_dma source(%dma_start3A_380 : memref<32xf32, #tpu.memory_space<hbm>>) target(%arg8 : memref<32xf32, #tpu.memory_space<vmem>>) target_semaphore(%run_scoped3A : memref<!tpu.dma_semaphore, #tpu.memory_space<semaphore_mem>>)
      %dma_wait3A = tpu.memref_slice %arg2[%select_n3A] : memref<2097152xf32, #tpu.memory_space<hbm>> -> memref<32xf32, #tpu.memory_space<hbm>>
      %dma_wait3A_381 = tpu.memref_slice %arg2[%select_n3A] : memref<2097152xf32, #tpu.memory_space<hbm>> -> memref<32xf32, #tpu.memory_space<hbm>>
      tpu.wait_dma2 semaphore(%run_scoped3A : memref<!tpu.dma_semaphore, #tpu.memory_space<semaphore_mem>>) src(%dma_wait3A_381 : memref<32xf32, #tpu.memory_space<hbm>>) dst(%arg8 : memref<32xf32, #tpu.memory_space<vmem>>)
      tpu.yield
    }) : () -> ()
    %iota3A = tpu.iota {dimensions = array<i32: 0>} : vector<16xi32>
    %get3A = arith.constant 0 : index
    %get3A_9 = tpu.vector_load %arg8[%get3A] {strides = array<i32>} : memref<32xf32, #tpu.memory_space<vmem>>, vector<16xf32>,
    %get3A_10 = arith.constant 16 : index
    %get3A_11 = tpu.vector_load %arg8[%get3A_10] {strides = array<i32>} : memref<32xf32, #tpu.memory_space<vmem>>, vector<16xf32>,
    %reduce_max3A = arith.constant true
    %reduce_max3A_12 = vector.broadcast %reduce_max3A : i1 to vector<16xi1>
    %reduce_max3A_13 = tpu.scan <max>, %get3A_9 masked %reduce_max3A_12 : vector<16xf32>, vector<16xi1> -> vector<16xf32>
    %reduce_max3A_14 = vector.extract %reduce_max3A_13[15] : f32 from vector<16xf32>
    %reduce_max3A_15 = arith.constant true
    %reduce_max3A_16 = vector.broadcast %reduce_max3A_15 : i1 to vector<16xi1>
    %reduce_max3A_17 = tpu.scan <max>, %get3A_11 masked %reduce_max3A_16 : vector<16xf32>, vector<16xi1> -> vector<16xf32>
    %reduce_max3A_18 = vector.extract %reduce_max3A_17[15] : f32 from vector<16xf32>
    %max3A = arith.maximumf %reduce_max3A_14, %reduce_max3A_18 : f32
    %eq3A_19 = vector.broadcast %max3A : f32 to vector<16xf32>
    %eq3A_20 = arith.cmpf oeq, %get3A_9, %eq3A_19 : vector<16xf32>
    %jit3A_21 = arith.constant 32 : i32
    %broadcast_in_dim3A = vector.broadcast %jit3A_21 : i32 to vector<16xi32>
    %select_n3A_22 = arith.select %eq3A_20, %iota3A, %broadcast_in_dim3A : vector<16xi1>, vector<16xi32>
    %eq3A_23 = vector.broadcast %max3A : f32 to vector<16xf32>
    %eq3A_24 = arith.cmpf oeq, %get3A_11, %eq3A_23 : vector<16xf32>
    %add3A_25 = arith.constant 16 : i32
    %add3A_26 = vector.broadcast %add3A_25 : i32 to vector<16xi32>
    %add3A_27 = arith.addi %iota3A, %add3A_26 : vector<16xi32>
    %jit3A_28 = arith.constant 32 : i32
    %broadcast_in_dim3A_29 = vector.broadcast %jit3A_28 : i32 to vector<16xi32>
    %select_n3A_30 = arith.select %eq3A_24, %add3A_27, %broadcast_in_dim3A_29 : vector<16xi1>, vector<16xi32>
    %reduce_min3A = arith.constant true
    %reduce_min3A_31 = vector.broadcast %reduce_min3A : i1 to vector<16xi1>
    %reduce_min3A_32 = arith.constant -2147483648 : i32
    %reduce_min3A_33 = vector.broadcast %reduce_min3A_32 : i32 to vector<16xi32>
    %reduce_min3A_34 = arith.xori %select_n3A_22, %reduce_min3A_33 : vector<16xi32>
    %reduce_min3A_35 = tpu.scan <min>, %reduce_min3A_34 masked %reduce_min3A_31 : vector<16xi32>, vector<16xi1> -> vector<16xi32>
    %reduce_min3A_36 = arith.xori %reduce_min3A_35, %reduce_min3A_33 : vector<16xi32>
    %reduce_min3A_37 = vector.extract %reduce_min3A_36[15] : i32 from vector<16xi32>
    %reduce_min3A_38 = arith.constant true
    %reduce_min3A_39 = vector.broadcast %reduce_min3A_38 : i1 to vector<16xi1>
    %reduce_min3A_40 = arith.constant -2147483648 : i32
    %reduce_min3A_41 = vector.broadcast %reduce_min3A_40 : i32 to vector<16xi32>
    %reduce_min3A_42 = arith.xori %select_n3A_30, %reduce_min3A_41 : vector<16xi32>
    %reduce_min3A_43 = tpu.scan <min>, %reduce_min3A_42 masked %reduce_min3A_39 : vector<16xi32>, vector<16xi1> -> vector<16xi32>
    %reduce_min3A_44 = arith.xori %reduce_min3A_43, %reduce_min3A_41 : vector<16xi32>
    %reduce_min3A_45 = vector.extract %reduce_min3A_44[15] : i32 from vector<16xi32>
    %min3A = arith.minsi %reduce_min3A_37, %reduce_min3A_45 : i32
    %eq3A_46 = arith.constant 0 : i32
    %eq3A_47 = arith.cmpi eq, %add3A, %eq3A_46 : i32
    %jit3A_48 = arith.constant -1 : i32
    %select_n3A_49 = arith.select %eq3A_47, %jit3A_48, %min3A : i32
    %broadcast_in_dim3A_50 = arith.constant 7 : i32
    %broadcast_in_dim3A_51 = vector.broadcast %broadcast_in_dim3A_50 : i32 to vector<16xi32>
    %broadcast_in_dim3A_52 = vector.broadcast %select_n3A_49 : i32 to vector<16xi32>
    %eq3A_53 = arith.constant 0 : i32
    %eq3A_54 = vector.broadcast %eq3A_53 : i32 to vector<16xi32>
    %eq3A_55 = arith.cmpi eq, %iota3A, %eq3A_54 : vector<16xi32>
    tpu.vector_store_idx %arg6[%broadcast_in_dim3A_51], %broadcast_in_dim3A_52 masked %eq3A_55 : memref<2056xi32, #tpu.memory_space<vmem>>[vector<16xi32>], vector<16xi32>, vector<16xi1>
    %add3A_56 = arith.constant 0 : i32
    %add3A_57 = vector.broadcast %add3A_56 : i32 to vector<16xi32>
    %add3A_58 = arith.addi %iota3A, %add3A_57 : vector<16xi32>
    %and3A = arith.constant 31 : i32
    %and3A_59 = vector.broadcast %and3A : i32 to vector<16xi32>
    %and3A_60 = arith.andi %add3A_58, %and3A_59 : vector<16xi32>
    %add3A_61 = arith.constant 1 : i32
    %add3A_62 = vector.broadcast %add3A_61 : i32 to vector<16xi32>
    %add3A_63 = arith.addi %iota3A, %add3A_62 : vector<16xi32>
    %and3A_64 = arith.constant 31 : i32
    %and3A_65 = vector.broadcast %and3A_64 : i32 to vector<16xi32>
    %and3A_66 = arith.andi %add3A_63, %and3A_65 : vector<16xi32>
    %add3A_67 = arith.constant 2 : i32
    %add3A_68 = vector.broadcast %add3A_67 : i32 to vector<16xi32>
    %add3A_69 = arith.addi %iota3A, %add3A_68 : vector<16xi32>
    %and3A_70 = arith.constant 31 : i32
    %and3A_71 = vector.broadcast %and3A_70 : i32 to vector<16xi32>
    %and3A_72 = arith.andi %add3A_69, %and3A_71 : vector<16xi32>
    %add3A_73 = arith.constant 3 : i32
    %add3A_74 = vector.broadcast %add3A_73 : i32 to vector<16xi32>
    %add3A_75 = arith.addi %iota3A, %add3A_74 : vector<16xi32>
    %and3A_76 = arith.constant 31 : i32
    %and3A_77 = vector.broadcast %and3A_76 : i32 to vector<16xi32>
    %and3A_78 = arith.andi %add3A_75, %and3A_77 : vector<16xi32>
    %add3A_79 = arith.constant 4 : i32
    %add3A_80 = vector.broadcast %add3A_79 : i32 to vector<16xi32>
    %add3A_81 = arith.addi %iota3A, %add3A_80 : vector<16xi32>
    %and3A_82 = arith.constant 31 : i32
    %and3A_83 = vector.broadcast %and3A_82 : i32 to vector<16xi32>
    %and3A_84 = arith.andi %add3A_81, %and3A_83 : vector<16xi32>
    %add3A_85 = arith.constant 5 : i32
    %add3A_86 = vector.broadcast %add3A_85 : i32 to vector<16xi32>
    %add3A_87 = arith.addi %iota3A, %add3A_86 : vector<16xi32>
    %and3A_88 = arith.constant 31 : i32
    %and3A_89 = vector.broadcast %and3A_88 : i32 to vector<16xi32>
    %and3A_90 = arith.andi %add3A_87, %and3A_89 : vector<16xi32>
    %add3A_91 = arith.constant 6 : i32
    %add3A_92 = vector.broadcast %add3A_91 : i32 to vector<16xi32>
    %add3A_93 = arith.addi %iota3A, %add3A_92 : vector<16xi32>
    %and3A_94 = arith.constant 31 : i32
    %and3A_95 = vector.broadcast %and3A_94 : i32 to vector<16xi32>
    %and3A_96 = arith.andi %add3A_93, %and3A_95 : vector<16xi32>
    %add3A_97 = arith.constant 7 : i32
    %add3A_98 = vector.broadcast %add3A_97 : i32 to vector<16xi32>
    %add3A_99 = arith.addi %iota3A, %add3A_98 : vector<16xi32>
    %and3A_100 = arith.constant 31 : i32
    %and3A_101 = vector.broadcast %and3A_100 : i32 to vector<16xi32>
    %and3A_102 = arith.andi %add3A_99, %and3A_101 : vector<16xi32>
    %add3A_103 = arith.constant 8 : i32
    %add3A_104 = vector.broadcast %add3A_103 : i32 to vector<16xi32>
    %add3A_105 = arith.addi %iota3A, %add3A_104 : vector<16xi32>
    %and3A_106 = arith.constant 31 : i32
    %and3A_107 = vector.broadcast %and3A_106 : i32 to vector<16xi32>
    %and3A_108 = arith.andi %add3A_105, %and3A_107 : vector<16xi32>
    %add3A_109 = arith.constant 9 : i32
    %add3A_110 = vector.broadcast %add3A_109 : i32 to vector<16xi32>
    %add3A_111 = arith.addi %iota3A, %add3A_110 : vector<16xi32>
    %and3A_112 = arith.constant 31 : i32
    %and3A_113 = vector.broadcast %and3A_112 : i32 to vector<16xi32>
    %and3A_114 = arith.andi %add3A_111, %and3A_113 : vector<16xi32>
    %add3A_115 = arith.constant 10 : i32
    %add3A_116 = vector.broadcast %add3A_115 : i32 to vector<16xi32>
    %add3A_117 = arith.addi %iota3A, %add3A_116 : vector<16xi32>
    %and3A_118 = arith.constant 31 : i32
    %and3A_119 = vector.broadcast %and3A_118 : i32 to vector<16xi32>
    %and3A_120 = arith.andi %add3A_117, %and3A_119 : vector<16xi32>
    %add3A_121 = arith.constant 11 : i32
    %add3A_122 = vector.broadcast %add3A_121 : i32 to vector<16xi32>
    %add3A_123 = arith.addi %iota3A, %add3A_122 : vector<16xi32>
    %and3A_124 = arith.constant 31 : i32
    %and3A_125 = vector.broadcast %and3A_124 : i32 to vector<16xi32>
    %and3A_126 = arith.andi %add3A_123, %and3A_125 : vector<16xi32>
    %add3A_127 = arith.constant 12 : i32
    %add3A_128 = vector.broadcast %add3A_127 : i32 to vector<16xi32>
    %add3A_129 = arith.addi %iota3A, %add3A_128 : vector<16xi32>
    %and3A_130 = arith.constant 31 : i32
    %and3A_131 = vector.broadcast %and3A_130 : i32 to vector<16xi32>
    %and3A_132 = arith.andi %add3A_129, %and3A_131 : vector<16xi32>
    %add3A_133 = arith.constant 13 : i32
    %add3A_134 = vector.broadcast %add3A_133 : i32 to vector<16xi32>
    %add3A_135 = arith.addi %iota3A, %add3A_134 : vector<16xi32>
    %and3A_136 = arith.constant 31 : i32
    %and3A_137 = vector.broadcast %and3A_136 : i32 to vector<16xi32>
    %and3A_138 = arith.andi %add3A_135, %and3A_137 : vector<16xi32>
    %add3A_139 = arith.constant 14 : i32
    %add3A_140 = vector.broadcast %add3A_139 : i32 to vector<16xi32>
    %add3A_141 = arith.addi %iota3A, %add3A_140 : vector<16xi32>
    %and3A_142 = arith.constant 31 : i32
    %and3A_143 = vector.broadcast %and3A_142 : i32 to vector<16xi32>
    %and3A_144 = arith.andi %add3A_141, %and3A_143 : vector<16xi32>
    %add3A_145 = arith.constant 15 : i32
    %add3A_146 = vector.broadcast %add3A_145 : i32 to vector<16xi32>
    %add3A_147 = arith.addi %iota3A, %add3A_146 : vector<16xi32>
    %and3A_148 = arith.constant 31 : i32
    %and3A_149 = vector.broadcast %and3A_148 : i32 to vector<16xi32>
    %and3A_150 = arith.andi %add3A_147, %and3A_149 : vector<16xi32>
    %add3A_151 = arith.constant 16 : i32
    %add3A_152 = vector.broadcast %add3A_151 : i32 to vector<16xi32>
    %add3A_153 = arith.addi %iota3A, %add3A_152 : vector<16xi32>
    %and3A_154 = arith.constant 31 : i32
    %and3A_155 = vector.broadcast %and3A_154 : i32 to vector<16xi32>
    %and3A_156 = arith.andi %add3A_153, %and3A_155 : vector<16xi32>
    %add3A_157 = arith.constant 17 : i32
    %add3A_158 = vector.broadcast %add3A_157 : i32 to vector<16xi32>
    %add3A_159 = arith.addi %iota3A, %add3A_158 : vector<16xi32>
    %and3A_160 = arith.constant 31 : i32
    %and3A_161 = vector.broadcast %and3A_160 : i32 to vector<16xi32>
    %and3A_162 = arith.andi %add3A_159, %and3A_161 : vector<16xi32>
    %add3A_163 = arith.constant 18 : i32
    %add3A_164 = vector.broadcast %add3A_163 : i32 to vector<16xi32>
    %add3A_165 = arith.addi %iota3A, %add3A_164 : vector<16xi32>
    %and3A_166 = arith.constant 31 : i32
    %and3A_167 = vector.broadcast %and3A_166 : i32 to vector<16xi32>
    %and3A_168 = arith.andi %add3A_165, %and3A_167 : vector<16xi32>
    %add3A_169 = arith.constant 19 : i32
    %add3A_170 = vector.broadcast %add3A_169 : i32 to vector<16xi32>
    %add3A_171 = arith.addi %iota3A, %add3A_170 : vector<16xi32>
    %and3A_172 = arith.constant 31 : i32
    %and3A_173 = vector.broadcast %and3A_172 : i32 to vector<16xi32>
    %and3A_174 = arith.andi %add3A_171, %and3A_173 : vector<16xi32>
    %add3A_175 = arith.constant 20 : i32
    %add3A_176 = vector.broadcast %add3A_175 : i32 to vector<16xi32>
    %add3A_177 = arith.addi %iota3A, %add3A_176 : vector<16xi32>
    %and3A_178 = arith.constant 31 : i32
    %and3A_179 = vector.broadcast %and3A_178 : i32 to vector<16xi32>
    %and3A_180 = arith.andi %add3A_177, %and3A_179 : vector<16xi32>
    %add3A_181 = arith.constant 21 : i32
    %add3A_182 = vector.broadcast %add3A_181 : i32 to vector<16xi32>
    %add3A_183 = arith.addi %iota3A, %add3A_182 : vector<16xi32>
    %and3A_184 = arith.constant 31 : i32
    %and3A_185 = vector.broadcast %and3A_184 : i32 to vector<16xi32>
    %and3A_186 = arith.andi %add3A_183, %and3A_185 : vector<16xi32>
    %add3A_187 = arith.constant 22 : i32
    %add3A_188 = vector.broadcast %add3A_187 : i32 to vector<16xi32>
    %add3A_189 = arith.addi %iota3A, %add3A_188 : vector<16xi32>
    %and3A_190 = arith.constant 31 : i32
    %and3A_191 = vector.broadcast %and3A_190 : i32 to vector<16xi32>
    %and3A_192 = arith.andi %add3A_189, %and3A_191 : vector<16xi32>
    %add3A_193 = arith.constant 23 : i32
    %add3A_194 = vector.broadcast %add3A_193 : i32 to vector<16xi32>
    %add3A_195 = arith.addi %iota3A, %add3A_194 : vector<16xi32>
    %and3A_196 = arith.constant 31 : i32
    %and3A_197 = vector.broadcast %and3A_196 : i32 to vector<16xi32>
    %and3A_198 = arith.andi %add3A_195, %and3A_197 : vector<16xi32>
    %add3A_199 = arith.constant 24 : i32
    %add3A_200 = vector.broadcast %add3A_199 : i32 to vector<16xi32>
    %add3A_201 = arith.addi %iota3A, %add3A_200 : vector<16xi32>
    %and3A_202 = arith.constant 31 : i32
    %and3A_203 = vector.broadcast %and3A_202 : i32 to vector<16xi32>
    %and3A_204 = arith.andi %add3A_201, %and3A_203 : vector<16xi32>
    %add3A_205 = arith.constant 25 : i32
    %add3A_206 = vector.broadcast %add3A_205 : i32 to vector<16xi32>
    %add3A_207 = arith.addi %iota3A, %add3A_206 : vector<16xi32>
    %and3A_208 = arith.constant 31 : i32
    %and3A_209 = vector.broadcast %and3A_208 : i32 to vector<16xi32>
    %and3A_210 = arith.andi %add3A_207, %and3A_209 : vector<16xi32>
    %add3A_211 = arith.constant 26 : i32
    %add3A_212 = vector.broadcast %add3A_211 : i32 to vector<16xi32>
    %add3A_213 = arith.addi %iota3A, %add3A_212 : vector<16xi32>
    %and3A_214 = arith.constant 31 : i32
    %and3A_215 = vector.broadcast %and3A_214 : i32 to vector<16xi32>
    %and3A_216 = arith.andi %add3A_213, %and3A_215 : vector<16xi32>
    %add3A_217 = arith.constant 27 : i32
    %add3A_218 = vector.broadcast %add3A_217 : i32 to vector<16xi32>
    %add3A_219 = arith.addi %iota3A, %add3A_218 : vector<16xi32>
    %and3A_220 = arith.constant 31 : i32
    %and3A_221 = vector.broadcast %and3A_220 : i32 to vector<16xi32>
    %and3A_222 = arith.andi %add3A_219, %and3A_221 : vector<16xi32>
    %add3A_223 = arith.constant 28 : i32
    %add3A_224 = vector.broadcast %add3A_223 : i32 to vector<16xi32>
    %add3A_225 = arith.addi %iota3A, %add3A_224 : vector<16xi32>
    %and3A_226 = arith.constant 31 : i32
    %and3A_227 = vector.broadcast %and3A_226 : i32 to vector<16xi32>
    %and3A_228 = arith.andi %add3A_225, %and3A_227 : vector<16xi32>
    %add3A_229 = arith.constant 29 : i32
    %add3A_230 = vector.broadcast %add3A_229 : i32 to vector<16xi32>
    %add3A_231 = arith.addi %iota3A, %add3A_230 : vector<16xi32>
    %and3A_232 = arith.constant 31 : i32
    %and3A_233 = vector.broadcast %and3A_232 : i32 to vector<16xi32>
    %and3A_234 = arith.andi %add3A_231, %and3A_233 : vector<16xi32>
    %add3A_235 = arith.constant 30 : i32
    %add3A_236 = vector.broadcast %add3A_235 : i32 to vector<16xi32>
    %add3A_237 = arith.addi %iota3A, %add3A_236 : vector<16xi32>
    %and3A_238 = arith.constant 31 : i32
    %and3A_239 = vector.broadcast %and3A_238 : i32 to vector<16xi32>
    %and3A_240 = arith.andi %add3A_237, %and3A_239 : vector<16xi32>
    %add3A_241 = arith.constant 31 : i32
    %add3A_242 = vector.broadcast %add3A_241 : i32 to vector<16xi32>
    %add3A_243 = arith.addi %iota3A, %add3A_242 : vector<16xi32>
    %and3A_244 = arith.constant 31 : i32
    %and3A_245 = vector.broadcast %and3A_244 : i32 to vector<16xi32>
    %and3A_246 = arith.andi %add3A_243, %and3A_245 : vector<16xi32>
    %mul3A_247 = arith.constant 32 : i32
    %mul3A_248 = vector.broadcast %mul3A_247 : i32 to vector<16xi32>
    %mul3A_249 = arith.muli %iota3A, %mul3A_248 : vector<16xi32>
    %add3A_250 = arith.addi %mul3A_249, %and3A_60 : vector<16xi32>
    %mul3A_251 = arith.constant 32 : i32
    %mul3A_252 = vector.broadcast %mul3A_251 : i32 to vector<16xi32>
    %mul3A_253 = arith.muli %iota3A, %mul3A_252 : vector<16xi32>
    %add3A_254 = arith.addi %mul3A_253, %and3A_66 : vector<16xi32>
    %mul3A_255 = arith.constant 32 : i32
    %mul3A_256 = vector.broadcast %mul3A_255 : i32 to vector<16xi32>
    %mul3A_257 = arith.muli %iota3A, %mul3A_256 : vector<16xi32>
    %add3A_258 = arith.addi %mul3A_257, %and3A_72 : vector<16xi32>
    %mul3A_259 = arith.constant 32 : i32
    %mul3A_260 = vector.broadcast %mul3A_259 : i32 to vector<16xi32>
    %mul3A_261 = arith.muli %iota3A, %mul3A_260 : vector<16xi32>
    %add3A_262 = arith.addi %mul3A_261, %and3A_78 : vector<16xi32>
    %mul3A_263 = arith.constant 32 : i32
    %mul3A_264 = vector.broadcast %mul3A_263 : i32 to vector<16xi32>
    %mul3A_265 = arith.muli %iota3A, %mul3A_264 : vector<16xi32>
    %add3A_266 = arith.addi %mul3A_265, %and3A_84 : vector<16xi32>
    %mul3A_267 = arith.constant 32 : i32
    %mul3A_268 = vector.broadcast %mul3A_267 : i32 to vector<16xi32>
    %mul3A_269 = arith.muli %iota3A, %mul3A_268 : vector<16xi32>
    %add3A_270 = arith.addi %mul3A_269, %and3A_90 : vector<16xi32>
    %mul3A_271 = arith.constant 32 : i32
    %mul3A_272 = vector.broadcast %mul3A_271 : i32 to vector<16xi32>
    %mul3A_273 = arith.muli %iota3A, %mul3A_272 : vector<16xi32>
    %add3A_274 = arith.addi %mul3A_273, %and3A_96 : vector<16xi32>
    %mul3A_275 = arith.constant 32 : i32
    %mul3A_276 = vector.broadcast %mul3A_275 : i32 to vector<16xi32>
    %mul3A_277 = arith.muli %iota3A, %mul3A_276 : vector<16xi32>
    %add3A_278 = arith.addi %mul3A_277, %and3A_102 : vector<16xi32>
    %mul3A_279 = arith.constant 32 : i32
    %mul3A_280 = vector.broadcast %mul3A_279 : i32 to vector<16xi32>
    %mul3A_281 = arith.muli %iota3A, %mul3A_280 : vector<16xi32>
    %add3A_282 = arith.addi %mul3A_281, %and3A_108 : vector<16xi32>
    %mul3A_283 = arith.constant 32 : i32
    %mul3A_284 = vector.broadcast %mul3A_283 : i32 to vector<16xi32>
    %mul3A_285 = arith.muli %iota3A, %mul3A_284 : vector<16xi32>
    %add3A_286 = arith.addi %mul3A_285, %and3A_114 : vector<16xi32>
    %mul3A_287 = arith.constant 32 : i32
    %mul3A_288 = vector.broadcast %mul3A_287 : i32 to vector<16xi32>
    %mul3A_289 = arith.muli %iota3A, %mul3A_288 : vector<16xi32>
    %add3A_290 = arith.addi %mul3A_289, %and3A_120 : vector<16xi32>
    %mul3A_291 = arith.constant 32 : i32
    %mul3A_292 = vector.broadcast %mul3A_291 : i32 to vector<16xi32>
    %mul3A_293 = arith.muli %iota3A, %mul3A_292 : vector<16xi32>
    %add3A_294 = arith.addi %mul3A_293, %and3A_126 : vector<16xi32>
    %mul3A_295 = arith.constant 32 : i32
    %mul3A_296 = vector.broadcast %mul3A_295 : i32 to vector<16xi32>
    %mul3A_297 = arith.muli %iota3A, %mul3A_296 : vector<16xi32>
    %add3A_298 = arith.addi %mul3A_297, %and3A_132 : vector<16xi32>
    %mul3A_299 = arith.constant 32 : i32
    %mul3A_300 = vector.broadcast %mul3A_299 : i32 to vector<16xi32>
    %mul3A_301 = arith.muli %iota3A, %mul3A_300 : vector<16xi32>
    %add3A_302 = arith.addi %mul3A_301, %and3A_138 : vector<16xi32>
    %mul3A_303 = arith.constant 32 : i32
    %mul3A_304 = vector.broadcast %mul3A_303 : i32 to vector<16xi32>
    %mul3A_305 = arith.muli %iota3A, %mul3A_304 : vector<16xi32>
    %add3A_306 = arith.addi %mul3A_305, %and3A_144 : vector<16xi32>
    %mul3A_307 = arith.constant 32 : i32
    %mul3A_308 = vector.broadcast %mul3A_307 : i32 to vector<16xi32>
    %mul3A_309 = arith.muli %iota3A, %mul3A_308 : vector<16xi32>
    %add3A_310 = arith.addi %mul3A_309, %and3A_150 : vector<16xi32>
    %mul3A_311 = arith.constant 32 : i32
    %mul3A_312 = vector.broadcast %mul3A_311 : i32 to vector<16xi32>
    %mul3A_313 = arith.muli %iota3A, %mul3A_312 : vector<16xi32>
    %add3A_314 = arith.addi %mul3A_313, %and3A_156 : vector<16xi32>
    %mul3A_315 = arith.constant 32 : i32
    %mul3A_316 = vector.broadcast %mul3A_315 : i32 to vector<16xi32>
    %mul3A_317 = arith.muli %iota3A, %mul3A_316 : vector<16xi32>
    %add3A_318 = arith.addi %mul3A_317, %and3A_162 : vector<16xi32>
    %mul3A_319 = arith.constant 32 : i32
    %mul3A_320 = vector.broadcast %mul3A_319 : i32 to vector<16xi32>
    %mul3A_321 = arith.muli %iota3A, %mul3A_320 : vector<16xi32>
    %add3A_322 = arith.addi %mul3A_321, %and3A_168 : vector<16xi32>
    %mul3A_323 = arith.constant 32 : i32
    %mul3A_324 = vector.broadcast %mul3A_323 : i32 to vector<16xi32>
    %mul3A_325 = arith.muli %iota3A, %mul3A_324 : vector<16xi32>
    %add3A_326 = arith.addi %mul3A_325, %and3A_174 : vector<16xi32>
    %mul3A_327 = arith.constant 32 : i32
    %mul3A_328 = vector.broadcast %mul3A_327 : i32 to vector<16xi32>
    %mul3A_329 = arith.muli %iota3A, %mul3A_328 : vector<16xi32>
    %add3A_330 = arith.addi %mul3A_329, %and3A_180 : vector<16xi32>
    %mul3A_331 = arith.constant 32 : i32
    %mul3A_332 = vector.broadcast %mul3A_331 : i32 to vector<16xi32>
    %mul3A_333 = arith.muli %iota3A, %mul3A_332 : vector<16xi32>
    %add3A_334 = arith.addi %mul3A_333, %and3A_186 : vector<16xi32>
    %mul3A_335 = arith.constant 32 : i32
    %mul3A_336 = vector.broadcast %mul3A_335 : i32 to vector<16xi32>
    %mul3A_337 = arith.muli %iota3A, %mul3A_336 : vector<16xi32>
    %add3A_338 = arith.addi %mul3A_337, %and3A_192 : vector<16xi32>
    %mul3A_339 = arith.constant 32 : i32
    %mul3A_340 = vector.broadcast %mul3A_339 : i32 to vector<16xi32>
    %mul3A_341 = arith.muli %iota3A, %mul3A_340 : vector<16xi32>
    %add3A_342 = arith.addi %mul3A_341, %and3A_198 : vector<16xi32>
    %mul3A_343 = arith.constant 32 : i32
    %mul3A_344 = vector.broadcast %mul3A_343 : i32 to vector<16xi32>
    %mul3A_345 = arith.muli %iota3A, %mul3A_344 : vector<16xi32>
    %add3A_346 = arith.addi %mul3A_345, %and3A_204 : vector<16xi32>
    %mul3A_347 = arith.constant 32 : i32
    %mul3A_348 = vector.broadcast %mul3A_347 : i32 to vector<16xi32>
    %mul3A_349 = arith.muli %iota3A, %mul3A_348 : vector<16xi32>
    %add3A_350 = arith.addi %mul3A_349, %and3A_210 : vector<16xi32>
    %mul3A_351 = arith.constant 32 : i32
    %mul3A_352 = vector.broadcast %mul3A_351 : i32 to vector<16xi32>
    %mul3A_353 = arith.muli %iota3A, %mul3A_352 : vector<16xi32>
    %add3A_354 = arith.addi %mul3A_353, %and3A_216 : vector<16xi32>
    %mul3A_355 = arith.constant 32 : i32
    %mul3A_356 = vector.broadcast %mul3A_355 : i32 to vector<16xi32>
    %mul3A_357 = arith.muli %iota3A, %mul3A_356 : vector<16xi32>
    %add3A_358 = arith.addi %mul3A_357, %and3A_222 : vector<16xi32>
    %mul3A_359 = arith.constant 32 : i32
    %mul3A_360 = vector.broadcast %mul3A_359 : i32 to vector<16xi32>
    %mul3A_361 = arith.muli %iota3A, %mul3A_360 : vector<16xi32>
    %add3A_362 = arith.addi %mul3A_361, %and3A_228 : vector<16xi32>
    %mul3A_363 = arith.constant 32 : i32
    %mul3A_364 = vector.broadcast %mul3A_363 : i32 to vector<16xi32>
    %mul3A_365 = arith.muli %iota3A, %mul3A_364 : vector<16xi32>
    %add3A_366 = arith.addi %mul3A_365, %and3A_234 : vector<16xi32>
    %mul3A_367 = arith.constant 32 : i32
    %mul3A_368 = vector.broadcast %mul3A_367 : i32 to vector<16xi32>
    %mul3A_369 = arith.muli %iota3A, %mul3A_368 : vector<16xi32>
    %add3A_370 = arith.addi %mul3A_369, %and3A_240 : vector<16xi32>
    %mul3A_371 = arith.constant 32 : i32
    %mul3A_372 = vector.broadcast %mul3A_371 : i32 to vector<16xi32>
    %mul3A_373 = arith.muli %iota3A, %mul3A_372 : vector<16xi32>
    %add3A_374 = arith.addi %mul3A_373, %and3A_246 : vector<16xi32>
    %scan3A = arith.constant 0 : i32
    %scan3A_375 = arith.constant 0 : i32
    %scan3A_376 = arith.constant 128 : i32
    %scan3A_377 = arith.addi %scan3A_375, %scan3A_376 : i32
    %scan3A_378 = arith.constant 1 : i32
    scf.for %scan3A_380 = %scan3A_375 to %scan3A_377 step %scan3A_378  : i32 {
      %mul3A_381 = arith.constant 512 : i32
      %mul3A_382 = arith.muli %scan3A_380, %mul3A_381 : i32
      %add3A_383 = vector.broadcast %mul3A_382 : i32 to vector<16xi32>
      %add3A_384 = arith.addi %add3A_250, %add3A_383 : vector<16xi32>
      %gather3A = tpu.vector_load_idx %arg5[%add3A_384] : memref<65536xf32, #tpu.memory_space<vmem>>[vector<16xi32>], vector<16xf32>,
      %add3A_385 = vector.broadcast %mul3A_382 : i32 to vector<16xi32>
      %add3A_386 = arith.addi %add3A_254, %add3A_385 : vector<16xi32>
      %gather3A_387 = tpu.vector_load_idx %arg5[%add3A_386] : memref<65536xf32, #tpu.memory_space<vmem>>[vector<16xi32>], vector<16xf32>,
      %add3A_388 = vector.broadcast %mul3A_382 : i32 to vector<16xi32>
      %add3A_389 = arith.addi %add3A_258, %add3A_388 : vector<16xi32>
      %gather3A_390 = tpu.vector_load_idx %arg5[%add3A_389] : memref<65536xf32, #tpu.memory_space<vmem>>[vector<16xi32>], vector<16xf32>,
      %add3A_391 = vector.broadcast %mul3A_382 : i32 to vector<16xi32>
      %add3A_392 = arith.addi %add3A_262, %add3A_391 : vector<16xi32>
      %gather3A_393 = tpu.vector_load_idx %arg5[%add3A_392] : memref<65536xf32, #tpu.memory_space<vmem>>[vector<16xi32>], vector<16xf32>,
      %add3A_394 = vector.broadcast %mul3A_382 : i32 to vector<16xi32>
      %add3A_395 = arith.addi %add3A_266, %add3A_394 : vector<16xi32>
      %gather3A_396 = tpu.vector_load_idx %arg5[%add3A_395] : memref<65536xf32, #tpu.memory_space<vmem>>[vector<16xi32>], vector<16xf32>,
      %add3A_397 = vector.broadcast %mul3A_382 : i32 to vector<16xi32>
      %add3A_398 = arith.addi %add3A_270, %add3A_397 : vector<16xi32>
      %gather3A_399 = tpu.vector_load_idx %arg5[%add3A_398] : memref<65536xf32, #tpu.memory_space<vmem>>[vector<16xi32>], vector<16xf32>,
      %add3A_400 = vector.broadcast %mul3A_382 : i32 to vector<16xi32>
      %add3A_401 = arith.addi %add3A_274, %add3A_400 : vector<16xi32>
      %gather3A_402 = tpu.vector_load_idx %arg5[%add3A_401] : memref<65536xf32, #tpu.memory_space<vmem>>[vector<16xi32>], vector<16xf32>,
      %add3A_403 = vector.broadcast %mul3A_382 : i32 to vector<16xi32>
      %add3A_404 = arith.addi %add3A_278, %add3A_403 : vector<16xi32>
      %gather3A_405 = tpu.vector_load_idx %arg5[%add3A_404] : memref<65536xf32, #tpu.memory_space<vmem>>[vector<16xi32>], vector<16xf32>,
      %add3A_406 = vector.broadcast %mul3A_382 : i32 to vector<16xi32>
      %add3A_407 = arith.addi %add3A_282, %add3A_406 : vector<16xi32>
      %gather3A_408 = tpu.vector_load_idx %arg5[%add3A_407] : memref<65536xf32, #tpu.memory_space<vmem>>[vector<16xi32>], vector<16xf32>,
      %add3A_409 = vector.broadcast %mul3A_382 : i32 to vector<16xi32>
      %add3A_410 = arith.addi %add3A_286, %add3A_409 : vector<16xi32>
      %gather3A_411 = tpu.vector_load_idx %arg5[%add3A_410] : memref<65536xf32, #tpu.memory_space<vmem>>[vector<16xi32>], vector<16xf32>,
      %add3A_412 = vector.broadcast %mul3A_382 : i32 to vector<16xi32>
      %add3A_413 = arith.addi %add3A_290, %add3A_412 : vector<16xi32>
      %gather3A_414 = tpu.vector_load_idx %arg5[%add3A_413] : memref<65536xf32, #tpu.memory_space<vmem>>[vector<16xi32>], vector<16xf32>,
      %add3A_415 = vector.broadcast %mul3A_382 : i32 to vector<16xi32>
      %add3A_416 = arith.addi %add3A_294, %add3A_415 : vector<16xi32>
      %gather3A_417 = tpu.vector_load_idx %arg5[%add3A_416] : memref<65536xf32, #tpu.memory_space<vmem>>[vector<16xi32>], vector<16xf32>,
      %add3A_418 = vector.broadcast %mul3A_382 : i32 to vector<16xi32>
      %add3A_419 = arith.addi %add3A_298, %add3A_418 : vector<16xi32>
      %gather3A_420 = tpu.vector_load_idx %arg5[%add3A_419] : memref<65536xf32, #tpu.memory_space<vmem>>[vector<16xi32>], vector<16xf32>,
      %add3A_421 = vector.broadcast %mul3A_382 : i32 to vector<16xi32>
      %add3A_422 = arith.addi %add3A_302, %add3A_421 : vector<16xi32>
      %gather3A_423 = tpu.vector_load_idx %arg5[%add3A_422] : memref<65536xf32, #tpu.memory_space<vmem>>[vector<16xi32>], vector<16xf32>,
      %add3A_424 = vector.broadcast %mul3A_382 : i32 to vector<16xi32>
      %add3A_425 = arith.addi %add3A_306, %add3A_424 : vector<16xi32>
      %gather3A_426 = tpu.vector_load_idx %arg5[%add3A_425] : memref<65536xf32, #tpu.memory_space<vmem>>[vector<16xi32>], vector<16xf32>,
      %add3A_427 = vector.broadcast %mul3A_382 : i32 to vector<16xi32>
      %add3A_428 = arith.addi %add3A_310, %add3A_427 : vector<16xi32>
      %gather3A_429 = tpu.vector_load_idx %arg5[%add3A_428] : memref<65536xf32, #tpu.memory_space<vmem>>[vector<16xi32>], vector<16xf32>,
      %add3A_430 = vector.broadcast %mul3A_382 : i32 to vector<16xi32>
      %add3A_431 = arith.addi %add3A_314, %add3A_430 : vector<16xi32>
      %gather3A_432 = tpu.vector_load_idx %arg5[%add3A_431] : memref<65536xf32, #tpu.memory_space<vmem>>[vector<16xi32>], vector<16xf32>,
      %add3A_433 = vector.broadcast %mul3A_382 : i32 to vector<16xi32>
      %add3A_434 = arith.addi %add3A_318, %add3A_433 : vector<16xi32>
      %gather3A_435 = tpu.vector_load_idx %arg5[%add3A_434] : memref<65536xf32, #tpu.memory_space<vmem>>[vector<16xi32>], vector<16xf32>,
      %add3A_436 = vector.broadcast %mul3A_382 : i32 to vector<16xi32>
      %add3A_437 = arith.addi %add3A_322, %add3A_436 : vector<16xi32>
      %gather3A_438 = tpu.vector_load_idx %arg5[%add3A_437] : memref<65536xf32, #tpu.memory_space<vmem>>[vector<16xi32>], vector<16xf32>,
      %add3A_439 = vector.broadcast %mul3A_382 : i32 to vector<16xi32>
      %add3A_440 = arith.addi %add3A_326, %add3A_439 : vector<16xi32>
      %gather3A_441 = tpu.vector_load_idx %arg5[%add3A_440] : memref<65536xf32, #tpu.memory_space<vmem>>[vector<16xi32>], vector<16xf32>,
      %add3A_442 = vector.broadcast %mul3A_382 : i32 to vector<16xi32>
      %add3A_443 = arith.addi %add3A_330, %add3A_442 : vector<16xi32>
      %gather3A_444 = tpu.vector_load_idx %arg5[%add3A_443] : memref<65536xf32, #tpu.memory_space<vmem>>[vector<16xi32>], vector<16xf32>,
      %add3A_445 = vector.broadcast %mul3A_382 : i32 to vector<16xi32>
      %add3A_446 = arith.addi %add3A_334, %add3A_445 : vector<16xi32>
      %gather3A_447 = tpu.vector_load_idx %arg5[%add3A_446] : memref<65536xf32, #tpu.memory_space<vmem>>[vector<16xi32>], vector<16xf32>,
      %add3A_448 = vector.broadcast %mul3A_382 : i32 to vector<16xi32>
      %add3A_449 = arith.addi %add3A_338, %add3A_448 : vector<16xi32>
      %gather3A_450 = tpu.vector_load_idx %arg5[%add3A_449] : memref<65536xf32, #tpu.memory_space<vmem>>[vector<16xi32>], vector<16xf32>,
      %add3A_451 = vector.broadcast %mul3A_382 : i32 to vector<16xi32>
      %add3A_452 = arith.addi %add3A_342, %add3A_451 : vector<16xi32>
      %gather3A_453 = tpu.vector_load_idx %arg5[%add3A_452] : memref<65536xf32, #tpu.memory_space<vmem>>[vector<16xi32>], vector<16xf32>,
      %add3A_454 = vector.broadcast %mul3A_382 : i32 to vector<16xi32>
      %add3A_455 = arith.addi %add3A_346, %add3A_454 : vector<16xi32>
      %gather3A_456 = tpu.vector_load_idx %arg5[%add3A_455] : memref<65536xf32, #tpu.memory_space<vmem>>[vector<16xi32>], vector<16xf32>,
      %add3A_457 = vector.broadcast %mul3A_382 : i32 to vector<16xi32>
      %add3A_458 = arith.addi %add3A_350, %add3A_457 : vector<16xi32>
      %gather3A_459 = tpu.vector_load_idx %arg5[%add3A_458] : memref<65536xf32, #tpu.memory_space<vmem>>[vector<16xi32>], vector<16xf32>,
      %add3A_460 = vector.broadcast %mul3A_382 : i32 to vector<16xi32>
      %add3A_461 = arith.addi %add3A_354, %add3A_460 : vector<16xi32>
      %gather3A_462 = tpu.vector_load_idx %arg5[%add3A_461] : memref<65536xf32, #tpu.memory_space<vmem>>[vector<16xi32>], vector<16xf32>,
      %add3A_463 = vector.broadcast %mul3A_382 : i32 to vector<16xi32>
      %add3A_464 = arith.addi %add3A_358, %add3A_463 : vector<16xi32>
      %gather3A_465 = tpu.vector_load_idx %arg5[%add3A_464] : memref<65536xf32, #tpu.memory_space<vmem>>[vector<16xi32>], vector<16xf32>,
      %add3A_466 = vector.broadcast %mul3A_382 : i32 to vector<16xi32>
      %add3A_467 = arith.addi %add3A_362, %add3A_466 : vector<16xi32>
      %gather3A_468 = tpu.vector_load_idx %arg5[%add3A_467] : memref<65536xf32, #tpu.memory_space<vmem>>[vector<16xi32>], vector<16xf32>,
      %add3A_469 = vector.broadcast %mul3A_382 : i32 to vector<16xi32>
      %add3A_470 = arith.addi %add3A_366, %add3A_469 : vector<16xi32>
      %gather3A_471 = tpu.vector_load_idx %arg5[%add3A_470] : memref<65536xf32, #tpu.memory_space<vmem>>[vector<16xi32>], vector<16xf32>,
      %add3A_472 = vector.broadcast %mul3A_382 : i32 to vector<16xi32>
      %add3A_473 = arith.addi %add3A_370, %add3A_472 : vector<16xi32>
      %gather3A_474 = tpu.vector_load_idx %arg5[%add3A_473] : memref<65536xf32, #tpu.memory_space<vmem>>[vector<16xi32>], vector<16xf32>,
      %add3A_475 = vector.broadcast %mul3A_382 : i32 to vector<16xi32>
      %add3A_476 = arith.addi %add3A_374, %add3A_475 : vector<16xi32>
      %gather3A_477 = tpu.vector_load_idx %arg5[%add3A_476] : memref<65536xf32, #tpu.memory_space<vmem>>[vector<16xi32>], vector<16xf32>,
      %max3A_478 = arith.maximumf %gather3A, %gather3A_387 : vector<16xf32>
      %max3A_479 = arith.maximumf %gather3A_390, %gather3A_393 : vector<16xf32>
      %max3A_480 = arith.maximumf %gather3A_396, %gather3A_399 : vector<16xf32>
      %max3A_481 = arith.maximumf %gather3A_402, %gather3A_405 : vector<16xf32>
      %max3A_482 = arith.maximumf %gather3A_408, %gather3A_411 : vector<16xf32>
      %max3A_483 = arith.maximumf %gather3A_414, %gather3A_417 : vector<16xf32>
      %max3A_484 = arith.maximumf %gather3A_420, %gather3A_423 : vector<16xf32>
      %max3A_485 = arith.maximumf %gather3A_426, %gather3A_429 : vector<16xf32>
      %max3A_486 = arith.maximumf %gather3A_432, %gather3A_435 : vector<16xf32>
      %max3A_487 = arith.maximumf %gather3A_438, %gather3A_441 : vector<16xf32>
      %max3A_488 = arith.maximumf %gather3A_444, %gather3A_447 : vector<16xf32>
      %max3A_489 = arith.maximumf %gather3A_450, %gather3A_453 : vector<16xf32>
      %max3A_490 = arith.maximumf %gather3A_456, %gather3A_459 : vector<16xf32>
      %max3A_491 = arith.maximumf %gather3A_462, %gather3A_465 : vector<16xf32>
      %max3A_492 = arith.maximumf %gather3A_468, %gather3A_471 : vector<16xf32>
      %max3A_493 = arith.maximumf %gather3A_474, %gather3A_477 : vector<16xf32>
      %max3A_494 = arith.maximumf %max3A_478, %max3A_479 : vector<16xf32>
      %max3A_495 = arith.maximumf %max3A_480, %max3A_481 : vector<16xf32>
      %max3A_496 = arith.maximumf %max3A_482, %max3A_483 : vector<16xf32>
      %max3A_497 = arith.maximumf %max3A_484, %max3A_485 : vector<16xf32>
      %max3A_498 = arith.maximumf %max3A_486, %max3A_487 : vector<16xf32>
      %max3A_499 = arith.maximumf %max3A_488, %max3A_489 : vector<16xf32>
      %max3A_500 = arith.maximumf %max3A_490, %max3A_491 : vector<16xf32>
      %max3A_501 = arith.maximumf %max3A_492, %max3A_493 : vector<16xf32>
      %max3A_502 = arith.maximumf %max3A_494, %max3A_495 : vector<16xf32>
      %max3A_503 = arith.maximumf %max3A_496, %max3A_497 : vector<16xf32>
      %max3A_504 = arith.maximumf %max3A_498, %max3A_499 : vector<16xf32>
      %max3A_505 = arith.maximumf %max3A_500, %max3A_501 : vector<16xf32>
      %max3A_506 = arith.maximumf %max3A_502, %max3A_503 : vector<16xf32>
      %max3A_507 = arith.maximumf %max3A_504, %max3A_505 : vector<16xf32>
      %max3A_508 = arith.maximumf %max3A_506, %max3A_507 : vector<16xf32>
      %broadcast_in_dim3A_509 = arith.constant 32 : i32
      %broadcast_in_dim3A_510 = vector.broadcast %broadcast_in_dim3A_509 : i32 to vector<16xi32>
      %eq3A_511 = arith.cmpf oeq, %gather3A, %max3A_508 : vector<16xf32>
      %select_n3A_512 = arith.select %eq3A_511, %and3A_60, %broadcast_in_dim3A_510 : vector<16xi1>, vector<16xi32>
      %eq3A_513 = arith.cmpf oeq, %gather3A_387, %max3A_508 : vector<16xf32>
      %select_n3A_514 = arith.select %eq3A_513, %and3A_66, %broadcast_in_dim3A_510 : vector<16xi1>, vector<16xi32>
      %eq3A_515 = arith.cmpf oeq, %gather3A_390, %max3A_508 : vector<16xf32>
      %select_n3A_516 = arith.select %eq3A_515, %and3A_72, %broadcast_in_dim3A_510 : vector<16xi1>, vector<16xi32>
      %eq3A_517 = arith.cmpf oeq, %gather3A_393, %max3A_508 : vector<16xf32>
      %select_n3A_518 = arith.select %eq3A_517, %and3A_78, %broadcast_in_dim3A_510 : vector<16xi1>, vector<16xi32>
      %eq3A_519 = arith.cmpf oeq, %gather3A_396, %max3A_508 : vector<16xf32>
      %select_n3A_520 = arith.select %eq3A_519, %and3A_84, %broadcast_in_dim3A_510 : vector<16xi1>, vector<16xi32>
      %eq3A_521 = arith.cmpf oeq, %gather3A_399, %max3A_508 : vector<16xf32>
      %select_n3A_522 = arith.select %eq3A_521, %and3A_90, %broadcast_in_dim3A_510 : vector<16xi1>, vector<16xi32>
      %eq3A_523 = arith.cmpf oeq, %gather3A_402, %max3A_508 : vector<16xf32>
      %select_n3A_524 = arith.select %eq3A_523, %and3A_96, %broadcast_in_dim3A_510 : vector<16xi1>, vector<16xi32>
      %eq3A_525 = arith.cmpf oeq, %gather3A_405, %max3A_508 : vector<16xf32>
      %select_n3A_526 = arith.select %eq3A_525, %and3A_102, %broadcast_in_dim3A_510 : vector<16xi1>, vector<16xi32>
      %eq3A_527 = arith.cmpf oeq, %gather3A_408, %max3A_508 : vector<16xf32>
      %select_n3A_528 = arith.select %eq3A_527, %and3A_108, %broadcast_in_dim3A_510 : vector<16xi1>, vector<16xi32>
      %eq3A_529 = arith.cmpf oeq, %gather3A_411, %max3A_508 : vector<16xf32>
      %select_n3A_530 = arith.select %eq3A_529, %and3A_114, %broadcast_in_dim3A_510 : vector<16xi1>, vector<16xi32>
      %eq3A_531 = arith.cmpf oeq, %gather3A_414, %max3A_508 : vector<16xf32>
      %select_n3A_532 = arith.select %eq3A_531, %and3A_120, %broadcast_in_dim3A_510 : vector<16xi1>, vector<16xi32>
      %eq3A_533 = arith.cmpf oeq, %gather3A_417, %max3A_508 : vector<16xf32>
      %select_n3A_534 = arith.select %eq3A_533, %and3A_126, %broadcast_in_dim3A_510 : vector<16xi1>, vector<16xi32>
      %eq3A_535 = arith.cmpf oeq, %gather3A_420, %max3A_508 : vector<16xf32>
      %select_n3A_536 = arith.select %eq3A_535, %and3A_132, %broadcast_in_dim3A_510 : vector<16xi1>, vector<16xi32>
      %eq3A_537 = arith.cmpf oeq, %gather3A_423, %max3A_508 : vector<16xf32>
      %select_n3A_538 = arith.select %eq3A_537, %and3A_138, %broadcast_in_dim3A_510 : vector<16xi1>, vector<16xi32>
      %eq3A_539 = arith.cmpf oeq, %gather3A_426, %max3A_508 : vector<16xf32>
      %select_n3A_540 = arith.select %eq3A_539, %and3A_144, %broadcast_in_dim3A_510 : vector<16xi1>, vector<16xi32>
      %eq3A_541 = arith.cmpf oeq, %gather3A_429, %max3A_508 : vector<16xf32>
      %select_n3A_542 = arith.select %eq3A_541, %and3A_150, %broadcast_in_dim3A_510 : vector<16xi1>, vector<16xi32>
      %eq3A_543 = arith.cmpf oeq, %gather3A_432, %max3A_508 : vector<16xf32>
      %select_n3A_544 = arith.select %eq3A_543, %and3A_156, %broadcast_in_dim3A_510 : vector<16xi1>, vector<16xi32>
      %eq3A_545 = arith.cmpf oeq, %gather3A_435, %max3A_508 : vector<16xf32>
      %select_n3A_546 = arith.select %eq3A_545, %and3A_162, %broadcast_in_dim3A_510 : vector<16xi1>, vector<16xi32>
      %eq3A_547 = arith.cmpf oeq, %gather3A_438, %max3A_508 : vector<16xf32>
      %select_n3A_548 = arith.select %eq3A_547, %and3A_168, %broadcast_in_dim3A_510 : vector<16xi1>, vector<16xi32>
      %eq3A_549 = arith.cmpf oeq, %gather3A_441, %max3A_508 : vector<16xf32>
      %select_n3A_550 = arith.select %eq3A_549, %and3A_174, %broadcast_in_dim3A_510 : vector<16xi1>, vector<16xi32>
      %eq3A_551 = arith.cmpf oeq, %gather3A_444, %max3A_508 : vector<16xf32>
      %select_n3A_552 = arith.select %eq3A_551, %and3A_180, %broadcast_in_dim3A_510 : vector<16xi1>, vector<16xi32>
      %eq3A_553 = arith.cmpf oeq, %gather3A_447, %max3A_508 : vector<16xf32>
      %select_n3A_554 = arith.select %eq3A_553, %and3A_186, %broadcast_in_dim3A_510 : vector<16xi1>, vector<16xi32>
      %eq3A_555 = arith.cmpf oeq, %gather3A_450, %max3A_508 : vector<16xf32>
      %select_n3A_556 = arith.select %eq3A_555, %and3A_192, %broadcast_in_dim3A_510 : vector<16xi1>, vector<16xi32>
      %eq3A_557 = arith.cmpf oeq, %gather3A_453, %max3A_508 : vector<16xf32>
      %select_n3A_558 = arith.select %eq3A_557, %and3A_198, %broadcast_in_dim3A_510 : vector<16xi1>, vector<16xi32>
      %eq3A_559 = arith.cmpf oeq, %gather3A_456, %max3A_508 : vector<16xf32>
      %select_n3A_560 = arith.select %eq3A_559, %and3A_204, %broadcast_in_dim3A_510 : vector<16xi1>, vector<16xi32>
      %eq3A_561 = arith.cmpf oeq, %gather3A_459, %max3A_508 : vector<16xf32>
      %select_n3A_562 = arith.select %eq3A_561, %and3A_210, %broadcast_in_dim3A_510 : vector<16xi1>, vector<16xi32>
      %eq3A_563 = arith.cmpf oeq, %gather3A_462, %max3A_508 : vector<16xf32>
      %select_n3A_564 = arith.select %eq3A_563, %and3A_216, %broadcast_in_dim3A_510 : vector<16xi1>, vector<16xi32>
      %eq3A_565 = arith.cmpf oeq, %gather3A_465, %max3A_508 : vector<16xf32>
      %select_n3A_566 = arith.select %eq3A_565, %and3A_222, %broadcast_in_dim3A_510 : vector<16xi1>, vector<16xi32>
      %eq3A_567 = arith.cmpf oeq, %gather3A_468, %max3A_508 : vector<16xf32>
      %select_n3A_568 = arith.select %eq3A_567, %and3A_228, %broadcast_in_dim3A_510 : vector<16xi1>, vector<16xi32>
      %eq3A_569 = arith.cmpf oeq, %gather3A_471, %max3A_508 : vector<16xf32>
      %select_n3A_570 = arith.select %eq3A_569, %and3A_234, %broadcast_in_dim3A_510 : vector<16xi1>, vector<16xi32>
      %eq3A_571 = arith.cmpf oeq, %gather3A_474, %max3A_508 : vector<16xf32>
      %select_n3A_572 = arith.select %eq3A_571, %and3A_240, %broadcast_in_dim3A_510 : vector<16xi1>, vector<16xi32>
      %eq3A_573 = arith.cmpf oeq, %gather3A_477, %max3A_508 : vector<16xf32>
      %select_n3A_574 = arith.select %eq3A_573, %and3A_246, %broadcast_in_dim3A_510 : vector<16xi1>, vector<16xi32>
      %min3A_575 = arith.minsi %select_n3A_512, %select_n3A_514 : vector<16xi32>
      %min3A_576 = arith.minsi %select_n3A_516, %select_n3A_518 : vector<16xi32>
      %min3A_577 = arith.minsi %select_n3A_520, %select_n3A_522 : vector<16xi32>
      %min3A_578 = arith.minsi %select_n3A_524, %select_n3A_526 : vector<16xi32>
      %min3A_579 = arith.minsi %select_n3A_528, %select_n3A_530 : vector<16xi32>
      %min3A_580 = arith.minsi %select_n3A_532, %select_n3A_534 : vector<16xi32>
      %min3A_581 = arith.minsi %select_n3A_536, %select_n3A_538 : vector<16xi32>
      %min3A_582 = arith.minsi %select_n3A_540, %select_n3A_542 : vector<16xi32>
      %min3A_583 = arith.minsi %select_n3A_544, %select_n3A_546 : vector<16xi32>
      %min3A_584 = arith.minsi %select_n3A_548, %select_n3A_550 : vector<16xi32>
      %min3A_585 = arith.minsi %select_n3A_552, %select_n3A_554 : vector<16xi32>
      %min3A_586 = arith.minsi %select_n3A_556, %select_n3A_558 : vector<16xi32>
      %min3A_587 = arith.minsi %select_n3A_560, %select_n3A_562 : vector<16xi32>
      %min3A_588 = arith.minsi %select_n3A_564, %select_n3A_566 : vector<16xi32>
      %min3A_589 = arith.minsi %select_n3A_568, %select_n3A_570 : vector<16xi32>
      %min3A_590 = arith.minsi %select_n3A_572, %select_n3A_574 : vector<16xi32>
      %min3A_591 = arith.minsi %min3A_575, %min3A_576 : vector<16xi32>
      %min3A_592 = arith.minsi %min3A_577, %min3A_578 : vector<16xi32>
      %min3A_593 = arith.minsi %min3A_579, %min3A_580 : vector<16xi32>
      %min3A_594 = arith.minsi %min3A_581, %min3A_582 : vector<16xi32>
      %min3A_595 = arith.minsi %min3A_583, %min3A_584 : vector<16xi32>
      %min3A_596 = arith.minsi %min3A_585, %min3A_586 : vector<16xi32>
      %min3A_597 = arith.minsi %min3A_587, %min3A_588 : vector<16xi32>
      %min3A_598 = arith.minsi %min3A_589, %min3A_590 : vector<16xi32>
      %min3A_599 = arith.minsi %min3A_591, %min3A_592 : vector<16xi32>
      %min3A_600 = arith.minsi %min3A_593, %min3A_594 : vector<16xi32>
      %min3A_601 = arith.minsi %min3A_595, %min3A_596 : vector<16xi32>
      %min3A_602 = arith.minsi %min3A_597, %min3A_598 : vector<16xi32>
      %min3A_603 = arith.minsi %min3A_599, %min3A_600 : vector<16xi32>
      %min3A_604 = arith.minsi %min3A_601, %min3A_602 : vector<16xi32>
      %min3A_605 = arith.minsi %min3A_603, %min3A_604 : vector<16xi32>
      %mul3A_606 = arith.constant 16 : i32
      %mul3A_607 = arith.muli %scan3A_380, %mul3A_606 : i32
      %add3A_608 = arith.constant 8 : i32
      %add3A_609 = arith.addi %add3A_608, %mul3A_607 : i32
      %swap3A = arith.index_cast %add3A_609 : i32 to index
      %swap3A_610 = tpu.vector_load %arg6[%swap3A] {strides = array<i32>} : memref<2056xi32, #tpu.memory_space<vmem>>, vector<16xi32>,
      tpu.vector_store %arg6[%swap3A], %min3A_605 {strides = array<i32>} : memref<2056xi32, #tpu.memory_space<vmem>>, vector<16xi32>,
      %add3A_611 = arith.constant 7 : i32
      %add3A_612 = arith.addi %add3A_611, %mul3A_607 : i32
      %add3A_613 = vector.broadcast %add3A_612 : i32 to vector<16xi32>
      %add3A_614 = arith.addi %iota3A, %add3A_613 : vector<16xi32>
      %gather3A_615 = tpu.vector_load_idx %arg6[%add3A_614] : memref<2056xi32, #tpu.memory_space<vmem>>[vector<16xi32>], vector<16xi32>,
      %ne3A = arith.cmpi ne, %min3A_605, %gather3A_615 : vector<16xi32>
      %ne3A_616 = arith.constant 0 : i32
      %ne3A_617 = vector.broadcast %ne3A_616 : i32 to vector<16xi32>
      %ne3A_618 = arith.cmpi ne, %min3A_605, %ne3A_617 : vector<16xi32>
      %and3A_619 = arith.andi %ne3A, %ne3A_618 : vector<16xi1>
      %convert_element_type3A = arith.extui %and3A_619 : vector<16xi1> to vector<16xi32>
      %swap3A_620 = arith.index_cast %mul3A_607 : i32 to index
      %swap3A_621 = tpu.vector_load %arg7[%swap3A_620] {strides = array<i32>} : memref<2048xi32, #tpu.memory_space<vmem>>, vector<16xi32>,
      tpu.vector_store %arg7[%swap3A_620], %convert_element_type3A {strides = array<i32>} : memref<2048xi32, #tpu.memory_space<vmem>>, vector<16xi32>,
    }
    %scan3A_379 = arith.constant 128 : i32
    "tpu.region"() ({
      %run_scoped3A = tpu.sem_alloc : memref<!tpu.dma_semaphore, #tpu.memory_space<semaphore_mem>>
      %dma_start3A = arith.constant 8 : i32
      %dma_start3A_380 = tpu.memref_slice %arg6[%dma_start3A] : memref<2056xi32, #tpu.memory_space<vmem>> -> memref<2048xi32, #tpu.memory_space<vmem>>
      %dma_start3A_381 = tpu.memref_slice %arg3[%mul3A_2] : memref<65536xi32, #tpu.memory_space<hbm>> -> memref<2048xi32, #tpu.memory_space<hbm>>
      %dma_start3A_382 = tpu.memref_slice %arg3[%mul3A_2] : memref<65536xi32, #tpu.memory_space<hbm>> -> memref<2048xi32, #tpu.memory_space<hbm>>
      %dma_start3A_383 = arith.constant 8 : i32
      %dma_start3A_384 = tpu.memref_slice %arg6[%dma_start3A_383] : memref<2056xi32, #tpu.memory_space<vmem>> -> memref<2048xi32, #tpu.memory_space<vmem>>
      tpu.enqueue_dma source(%dma_start3A_384 : memref<2048xi32, #tpu.memory_space<vmem>>) target(%dma_start3A_382 : memref<2048xi32, #tpu.memory_space<hbm>>) target_semaphore(%run_scoped3A : memref<!tpu.dma_semaphore, #tpu.memory_space<semaphore_mem>>)
      %dma_wait3A = arith.constant 8 : i32
      %dma_wait3A_385 = tpu.memref_slice %arg6[%dma_wait3A] : memref<2056xi32, #tpu.memory_space<vmem>> -> memref<2048xi32, #tpu.memory_space<vmem>>
      %dma_wait3A_386 = tpu.memref_slice %arg3[%mul3A_2] : memref<65536xi32, #tpu.memory_space<hbm>> -> memref<2048xi32, #tpu.memory_space<hbm>>
      %dma_wait3A_387 = tpu.memref_slice %arg3[%mul3A_2] : memref<65536xi32, #tpu.memory_space<hbm>> -> memref<2048xi32, #tpu.memory_space<hbm>>
      %dma_wait3A_388 = arith.constant 8 : i32
      %dma_wait3A_389 = tpu.memref_slice %arg6[%dma_wait3A_388] : memref<2056xi32, #tpu.memory_space<vmem>> -> memref<2048xi32, #tpu.memory_space<vmem>>
      tpu.wait_dma2 semaphore(%run_scoped3A : memref<!tpu.dma_semaphore, #tpu.memory_space<semaphore_mem>>) src(%dma_wait3A_389 : memref<2048xi32, #tpu.memory_space<vmem>>) dst(%dma_wait3A_387 : memref<2048xi32, #tpu.memory_space<hbm>>)
      tpu.yield
    }) : () -> ()
    "tpu.region"() ({
      %run_scoped3A = tpu.sem_alloc : memref<!tpu.dma_semaphore, #tpu.memory_space<semaphore_mem>>
      %dma_start3A = tpu.memref_slice %arg4[%mul3A_2] : memref<65536xi32, #tpu.memory_space<hbm>> -> memref<2048xi32, #tpu.memory_space<hbm>>
      %dma_start3A_380 = tpu.memref_slice %arg4[%mul3A_2] : memref<65536xi32, #tpu.memory_space<hbm>> -> memref<2048xi32, #tpu.memory_space<hbm>>
      tpu.enqueue_dma source(%arg7 : memref<2048xi32, #tpu.memory_space<vmem>>) target(%dma_start3A_380 : memref<2048xi32, #tpu.memory_space<hbm>>) target_semaphore(%run_scoped3A : memref<!tpu.dma_semaphore, #tpu.memory_space<semaphore_mem>>)
      %dma_wait3A = tpu.memref_slice %arg4[%mul3A_2] : memref<65536xi32, #tpu.memory_space<hbm>> -> memref<2048xi32, #tpu.memory_space<hbm>>
      %dma_wait3A_381 = tpu.memref_slice %arg4[%mul3A_2] : memref<65536xi32, #tpu.memory_space<hbm>> -> memref<2048xi32, #tpu.memory_space<hbm>>
      tpu.wait_dma2 semaphore(%run_scoped3A : memref<!tpu.dma_semaphore, #tpu.memory_space<semaphore_mem>>) src(%arg7 : memref<2048xi32, #tpu.memory_space<vmem>>) dst(%dma_wait3A_381 : memref<2048xi32, #tpu.memory_space<hbm>>)
      tpu.yield
    }) : () -> ()
    return
  }
}

</mosaic_0001>

<sc_bundles>
// kernel: _decode.3.cloned.1.call-start
scs
__scs_entry_jumppad:
0x0: {  	(pc) =	sbr.rel $0x88, $3  }
0x1: {  	(tag) =	ssettag $0x0;
	lr =	simm.s32 $0x1  }
0x2: {  	[smem:$0x3FA0] =	sst lr;
	_ =	strace $0xD0000000  }
0x3: {  	_ = 	snop  }
0x4: {  	_ = 	snop  }
0x5: {  	_ = 	snop  }
0x6: {  	_ = 	snop  }
0x7: {  	_ = 	snop  }
__scs_overlays_trampoline_lowered:
0x8: {  	[smem:$0x3FAF] =	sst s0  }
0x9: {  	[smem:$0x3FB0] =	sst s1  }
0xa: {  	[smem:$0x3FB1] =	sst s2  }
0xb: {  	[smem:$0x3FB2] =	sst s3  }
0xc: {  	[smem:$0x3FB3] =	sst s4  }
0xd: {  	[smem:$0x3FB4] =	sst s5  }
0xe: {  	[smem:$0x3FB5] =	sst s6  }
0xf: {  	[smem:$0x3FB6] =	sst s7  }
0x10: {  	[smem:$0x3FB7] =	sst s8  }
0x11: {  	[smem:$0x3FB8] =	sst s9;
	s0 =	simm.s32 @!p0 $0x0  }
0x12: {  	s1 =	sld [smem:$0x3F9E];
	s0 =	simm.s32 @p0 $0x1  }
0x13: {  	[smem:$0x3FB9] =	sst s0;
	s0 =	simm.s32 @!p1 $0x0  }
0x14: {  	s2 =	sld [smem:$0x3F9D];
	s0 =	simm.s32 @p1 $0x1  }
0x15: {  	[smem:$0x3FBA] =	sst s0;
	s0 =	simm.s32 @!p2 $0x0  }
0x16: {  	s3 =	sld [smem:$0x3FDB];
	s0 =	simm.s32 @p2 $0x1  }
0x17: {  	s4 =	simm.s32 $0x1BF5;
	[smem:$0x3FBC] =	sst s0  }
0x18: {  	s0 =	sld [smem:$0x3F9F];
	_ =	swait.ge [sflag:s4], $0x0  }
0x19: {  	s7 =	sld [smem:$0x3FA0]  }
0x1a: {  	s8 =	sadd.s32 $0xFFFFE003, lr  }
0x1b: {  	s9 =	sadd.s32 $0xFFFFFEF7, lr;
	s5 =	simm.s32 $0xFFFFFFFF;
	p2 =	slt.u32 s8, $0xFFFFF086  }
0x1c: {  	p1 =	slt.u32 s9, $0xF7A;
	s5 =	simm.s32 @!p2 $0x0  }
0x1d: {  	s5 =	simm.s32 @p1 $0x1;
	p0 =	seq.s32 s7, s2  }
0x1e: {  	s7 =	smul.u32 @!p0 $0xF7A, s2;
	p2 =	seq.s32 @!p0 s5, $0x0  }
0x1f: {  	s9 =	smul.u32 $0xF7A, s1;
	s8 =	simm.s32 @!p0 $0x1BF5;
	p2 =	por !p2, p0  }
0x20: {  	[sflag:s8] =	ssyncset.s32 @!p0 $0xFFFFF086;
	s6 =	sadd.s32 @!p0 s3, s7;
	s7 =	simm.s32 @!p0 $0x108  }
0x21: {  	s3 =	sadd.s32 s3, s9;
	s6 =	sadd.s32 @!p0 $0x88, s6;
	s7 =	simm.s32 @p2 $0x1082  }
0x22: {  	[simem:s7], [sflag:s8] =	dma.local @!p0 [hbm:s6], $0xF7A  }
0x23: {  	s9 =	sor.u32 $0xD0000000, s2;
	s6 =	simm.s32 $0x108;
	_ =	swait.ge @!p0 [sflag:s8], $0x0  }
0x24: {  	s3 =	sadd.s32 $0x88, s3;
	s6 =	simm.s32 @!p1 $0x1082;
	[sflag:s4] =	ssyncset.s32 $0xFFFFF086  }
0x25: {  	[simem:s6], [sflag:s4] =	dma.local [hbm:s3], $0xF7A  }
0x26: {  	[smem:$0x3FA0] =	sst s1;
	(tag) =	ssettag s2;
	_ =	strace s9  }
0x27: {  	s1 =	sld [smem:$0x3FB0]  }
0x28: {  	s2 =	sld [smem:$0x3FB1]  }
0x29: {  	s4 =	sld [smem:$0x3FB3]  }
0x2a: {  	p0 =	seq.s32 s5, $0x0;
	s5 =	sld [smem:$0x3FB4]  }
0x2b: {  	s6 =	sld [smem:$0x3FB5]  }
0x2c: {  	s7 =	sld [smem:$0x3FB6]  }
0x2d: {  	s3 =	simm.s32 $0x108;
	s8 =	sld [smem:$0x3FB7]  }
0x2e: {  	s3 =	simm.s32 @!p0 $0x1082;
	s9 =	sld [smem:$0x3FB8]  }
0x2f: {  	lr =	sadd.s32 s0, s3;
	s0 =	sld [smem:$0x3FAF]  }
0x30: {  	s3 =	sld [smem:$0x3FB2]  }
0x31: {  	[smem:$0x3FBB] =	sst s10  }
0x32: {  	s10 =	sld [smem:$0x3FB9];
	_ =	sdelay $0x3  }
0x33: {  	p0 =	seq.s32 s10, $0x1;
	s10 =	sld [smem:$0x3FBB];
	_ =	sdelay $0x3  }
0x34: {  	[smem:$0x3FBB] =	sst s10  }
0x35: {  	s10 =	sld [smem:$0x3FBA];
	_ =	sdelay $0x3  }
0x36: {  	p1 =	seq.s32 s10, $0x1;
	s10 =	sld [smem:$0x3FBB];
	_ =	sdelay $0x3  }
0x37: {  	[smem:$0x3FBB] =	sst s10  }
0x38: {  	s10 =	sld [smem:$0x3FBC]  }
0x39: {  	_ = 	snop;
	(pc) =	sbr.ind lr, $3  }
0x3a: {  	_ = 	snop  }
0x3b: {  	_ = 	snop  }
0x3c: {  	p2 =	seq.s32 s10, $0x1;
	s10 =	sld [smem:$0x3FBB]  }
0x3d: {  	_ =	shalt  }
0x3e: {  	_ =	shalt  }
0x3f: {  	_ =	shalt  }
0x40: {  	_ =	shalt  }
0x41: {  	_ =	shalt  }
0x42: {  	_ =	shalt  }
0x43: {  	_ =	shalt  }
0x44: {  	_ =	shalt  }
0x45: {  	_ =	shalt  }
0x46: {  	_ =	shalt  }
0x47: {  	_ =	shalt  }
0x48: {  	_ =	shalt  }
0x49: {  	_ =	shalt  }
0x4a: {  	_ =	shalt  }
0x4b: {  	_ =	shalt  }
0x4c: {  	_ =	shalt  }
0x4d: {  	_ =	shalt  }
0x4e: {  	_ =	shalt  }
0x4f: {  	_ =	shalt  }
0x50: {  	_ =	shalt  }
0x51: {  	_ =	shalt  }
0x52: {  	_ =	shalt  }
0x53: {  	_ =	shalt  }
0x54: {  	_ =	shalt  }
0x55: {  	_ =	shalt  }
0x56: {  	_ =	shalt  }
0x57: {  	_ =	shalt  }
0x58: {  	_ =	shalt  }
0x59: {  	_ =	shalt  }
0x5a: {  	_ =	shalt  }
0x5b: {  	_ =	shalt  }
0x5c: {  	_ =	shalt  }
0x5d: {  	_ =	shalt  }
0x5e: {  	_ =	shalt  }
0x5f: {  	_ =	shalt  }
0x60: {  	_ =	shalt  }
0x61: {  	_ =	shalt  }
0x62: {  	_ =	shalt  }
0x63: {  	_ =	shalt  }
0x64: {  	_ =	shalt  }
0x65: {  	_ =	shalt  }
0x66: {  	_ =	shalt  }
0x67: {  	_ =	shalt  }
0x68: {  	_ =	shalt  }
0x69: {  	_ =	shalt  }
0x6a: {  	_ =	shalt  }
0x6b: {  	_ =	shalt  }
0x6c: {  	_ =	shalt  }
0x6d: {  	_ =	shalt  }
0x6e: {  	_ =	shalt  }
0x6f: {  	_ =	shalt  }
0x70: {  	_ =	shalt  }
0x71: {  	_ =	shalt  }
0x72: {  	_ =	shalt  }
0x73: {  	_ =	shalt  }
0x74: {  	_ =	shalt  }
0x75: {  	_ =	shalt  }
0x76: {  	_ =	shalt  }
0x77: {  	_ =	shalt  }
0x78: {  	_ =	shalt  }
0x79: {  	_ =	shalt  }
0x7a: {  	_ =	shalt  }
0x7b: {  	_ =	shalt  }
0x7c: {  	_ =	shalt  }
0x7d: {  	_ =	shalt  }
0x7e: {  	_ =	shalt  }
0x7f: {  	_ =	shalt  }
0x80: {  	_ =	shalt  }
0x81: {  	_ =	shalt  }
0x82: {  	_ =	shalt  }
0x83: {  	_ =	shalt  }
0x84: {  	_ =	shalt  }
0x85: {  	_ =	shalt  }
0x86: {  	_ =	shalt  }
0x87: {  	_ =	shalt  }
.Lfunc_end0:
.L_simem_size_0:
called_computation_lowered:
.L_overlay_start_0:
0x88: {  	s2 =	sld [smem:$0x3FD9]  }
0x89: {  	s3 =	sld [smem:$0x3FFE];
	_ =	sdelay $0x1  }
0x8a: {  	s1 =	srdreg.scid  }
0x8b: {  	s0 =	sand.u32 $0x1, s1  }
0x8c: {  	s15 =	sshll.u32 s0, $0xA;
	s2 =	sadd.s32 s3, s2  }
0x8d: {  	s2 =	sadd.s32 s2, s15  }
0x8e: {  	[smem:$0x3FC7] =	sst s2  }
0x8f: {  	_ = 	snop  }
0x90: {  	s2 =	sld [smem:$0x3FD0];
	_ =	sdelay $0x2  }
0x91: {  	s4 =	simm.s32 $0xA;
	s5 =	simm.s32 $0x10;
	s16 =	sld [smem:$0x3FC9]  }
0x92: {  	[smem:s5], [sflag:s4] =	dma.local [hbm:s2], $0x1  }
0x93: {  	_ =	swait.eq [sflag:s4], $0x1  }
0x94: {  	[sflag:s4] =	ssyncset.done $0x0  }
0x95: {  	s17 =	sld [smem:$0x10];
	[sflag:s4] =	ssyncadd.s32 $0xFFFFFFFF  }
0x96: {  	s18 =	sld [smem:$0x11];
	(tm) =	ssettm $0x1  }
0x97: {  	s19 =	sld [smem:$0x3FFB];
	_ =	sdelay $0x3  }
0x98: {  	_ =	strace s19  }
0x99: {  	s5 =	sld [smem:$0x3FFC];
	_ =	sdelay $0x3  }
0x9a: {  	_ =	strace s5  }
0x9b: {  	s5 =	sld [smem:$0x3FFD];
	_ =	sdelay $0x3  }
0x9c: {  	_ =	strace s5  }
0x9d: {  	_ =	strace $0x8FFFFFFF  }
0x9e: {  	s20 =	sld [smem:$0x3FDB];
	_ =	sdelay $0x1  }
0x9f: {  	s6 =	simm.s32 $_scs_section_size  }
0xa0: {  	s7 =	simm.s32 $_size__tile_overlayer_lowered;
	s8 =	simm.s32 $_tile_overlayer_lowered  }
0xa1: {  	s23 =	simm.s32 $0x1BFF;
	s22 =	sshll.u32 s8, $0x1;
	s5 =	sadd.s32 s6, s20  }
0xa2: {  	s9 =	simm.s32 $0x0;
	s21 =	sshll.u32 s7, $0x1;
	s7 =	sadd.s32 s22, s5  }
0xa3: {  	[timem:s9], [sflag:s23] =	dma.local [hbm:s7], s21  }
0xa4: {  	_ =	swait.ge [sflag:s23], s21  }
0xa5: {  	s6 =	ssub.s32 $0x0, s21;
	[sflag:s23] =	ssyncset.done $0x0  }
0xa6: {  	[sflag:s23] =	ssyncadd.s32 s6;
	_ =	sdelay $0x1  }
0xa7: {  	s24 =	simm.s32 $0x1B8B  }
0xa8: {  	_ =	swait.ge [sflag:s24], $0x1  }
0xa9: {  	[sflag:s24] =	ssyncset.done $0x0  }
0xaa: {  	s25 =	simm.s32 $0x1B8E;
	[sflag:s24] =	ssyncadd.s32 $0xFFFFFFFF  }
0xab: {  	s26 =	simm.s32 $execute0_lowered;
	[smem:$0x3FD2] =	sst s25  }
0xac: {  	s6 =	sshll.u32 s26, $0x1;
	_ =	strace $0x80000046;
	[dreg:$0x1] =	wrdreg $0xFFFFFFFF  }
0xad: {  	s28 =	simm.s32 $_size_execute0_lowered;
	s5 =	sadd.s32 s5, s6;
	[dreg:$0x0] =	wrdreg $0x0  }
0xae: {  	s6 =	sshll.u32 s28, $0x1;
	[dreg:$0x2] =	wrdreg s5  }
0xaf: {  	[dreg:$0x3] =	wrdreg s6  }
0xb0: {  	[dreg:$0x4] =	wrdreg $0xC0  }
0xb1: {  	_ =	task [dreg:s9], $0x5FFFF  }
0xb2: {  	[dreg:$0x1] =	wrdreg $0xFFFFFFFF  }
0xb3: {  	[dreg:$0x0] =	wrdreg $0x60  }
0xb4: {  	[dreg:$0x2] =	wrdreg s16  }
0xb5: {  	[dreg:$0x3] =	wrdreg s17  }
0xb6: {  	[dreg:$0x4] =	wrdreg s18  }
0xb7: {  	[dreg:$0x5] =	wrdreg $0x9  }
0xb8: {  	_ =	task.clear_ibuf [dreg:s9], $0x6FFFF;
	_ =	strace $0x90000046  }
0xb9: {  	s29 =	simm.s32 $0x9;
	_ =	strace $0x80000048  }
0xba: {  	_ =	swait.ge [sflag:s29], $0x1  }
0xbb: {  	[sflag:s29] =	ssyncadd.s32 $0xFFFFFFFF  }
0xbc: {  	_ =	strace $0x90000048  }
0xbd: {  	_ =	sfence  }
0xbe: {  	s30 =	sld [smem:$0x0];
	_ =	sdelay $0x2  }
0xbf: {  	s31 =	sshll.u32 s1, $0xD;
	s1 =	sshrl.u32 s1, $0x2  }
0xc0: {  	s3 =	sand.u32 $0x4000, s31;
	s1 =	sadd.s32 s1, s30  }
0xc1: {  	s0 =	sor.u32 s3, s0;
	s1 =	sshll.u32 s1, $0x11  }
0xc2: {  	s0 =	sor.u32 s1, s0  }
0xc3: {  	s0 =	sadd.s32 $0x8F2B, s0  }
0xc4: {  	[sflag:s0] =	ssyncadd.remote.s32 $0x1  }
0xc5: {  	_ =	sfence.sel $0xFFFF  }
0xc6: {  	[dreg:$0x0] =	wrdreg $0xFFFFFFFF;
	(pc) =	sbr.abs _section_cstart, $3  }
0xc7: {  	[dreg:$0x1] =	wrdreg $0xFFFFFFFF  }
0xc8: {  	_ =	task.clear_ibuf [dreg:s9], $0x2FFFF;
	_ =	strace $0x9FFFFFFF  }
0xc9: {  	(tm) =	ssettm $0x7FFFFFFF  }
tec
execute0_lowered:
.L_overlay_start_1:
0x0: {  	(tag) =	ssettag $0x1  }
0x1: {  	v11 =	vlaneseq.u32;
	v61 =	vimm.s32 $0x74533211  }
0x2: {  	v1 =	vimm.s32 $0xF8D7B695;
	vm4 =	vcmask $0xF00;
	vm0 =	vcmask $0x1F10  }
0x3: {  	vm1 =	vcmask $0x2320;
	vm2 =	vcmask $0x2724;
	vm3 =	vcmask $0x2B28  }
0x4: {  	v62 =	vimm.s32 $0x75543312;
	vm5 =	vcmask $0x2F2C;
	v2 =	vimm.s32 $0xF9D8B796  }
0x5: {  	vm6 =	vcmask $0x3330;
	vm7 =	vcmask $0x3734;
	v3 =	vimm.s32 $0x76553413  }
0x6: {  	vm8 =	vcmask $0x3B38;
	v21 =	vimm.s32 $0x77563514;
	v28 =	vimm.s32 $0x79583716  }
0x7: {  	v53 =	vimm.s32 $0x7B5A3918;
	v55 =	vimm.s32 $0xFFDEBD9C;
	v4 =	vimm.s32 $0xE0DFBE9D  }
0x8: {  	v5 =	vimm.s32 $0xE6C5A483;
	v6 =	vimm.s32 $0x1E1D1C1B;
	v7 =	vimm.s32 $0x201001F  }
0x9: {  	vm14 =	vcmask $0x2F10;
	vm15 =	vcmask $0x3F30;
	v0 =	vor.u32 $0x80000000, v11  }
0xa: {  	v60 =	vor.u32 $0x80000010, v11;
	v1 =	vunpack.c.0.s8.s32 v1;
	[tilespmem:$0x1FD60] =	vst v0;
	v0 =	vunpack.c.0.s8.s32 v61  }
0xb: {  	v2 =	vunpack.c.0.s8.s32 v2;
	v8 =	vunpack.c.0.s8.s32 v3;
	v3 =	vimm.s32 $0xFAD9B897  }
0xc: {  	v56 =	vunpack.c.0.s8.s32 v4;
	v4 =	vimm.s32 $0xE3C2A180;
	v0 =	vand.u32 $0xFF, v0  }
0xd: {  	v6 =	vunpack.c.0.s8.s32 v6;
	v1 =	vand.u32 $0xFF, v1;
	v0 =	vnsel vm4, $0x1E0, v0  }
0xe: {  	v7 =	vunpack.c.0.s8.s32 v7;
	v0 =	vsel vm0, v1, v0;
	v1 =	vunpack.c.0.s8.s32 v62  }
0xf: {  	v3 =	vunpack.c.0.s8.s32 v3;
	v4 =	vunpack.c.0.s8.s32 v4;
	v0 =	vsel vm1, $0x119, v0  }
0x10: {  	v2 =	vand.u32 $0xFF, v2;
	v0 =	vsel vm2, $0x13A, v0;
	v1 =	vand.u32 $0xFF, v1  }
0x11: {  	v3 =	vand.u32 $0xFF, v3;
	v0 =	vsel vm3, $0x15B, v0;
	v1 =	vnsel vm4, $0x1E1, v1  }
0x12: {  	v0 =	vsel vm5, $0x17C, v0;
	v1 =	vsel vm0, v2, v1;
	v2 =	vand.u32 $0xFF, v8  }
0x13: {  	v0 =	vsel vm6, $0x19D, v0;
	v1 =	vsel vm1, $0x11A, v1;
	v2 =	vnsel vm4, $0x1E2, v2  }
0x14: {  	v0 =	vsel vm7, $0x1BE, v0;
	v1 =	vsel vm2, $0x13B, v1;
	v10 =	vsel vm0, v3, v2  }
0x15: {  	v2 =	vunpack.c.0.s8.s32 v21;
	v3 =	vimm.s32 $0xFBDAB998;
	v1 =	vsel vm3, $0x15C, v1  }
0x16: {  	v51 =	vsel vm8, $0x1DF, v0;
	v3 =	vunpack.c.0.s8.s32 v3;
	v9 =	vsel vm5, $0x17D, v1  }
0x17: {  	v1 =	vsel vm1, $0x11B, v10;
	v23 =	vand.u32 $0xFF, v2;
	v0 =	vsel vm6, $0x19E, v9  }
0x18: {  	v1 =	vsel vm2, $0x13C, v1;
	v24 =	vand.u32 $0xFF, v3;
	v3 =	vimm.s32 $0x78573615  }
0x19: {  	v9 =	vimm.s32 $0x7D5C3B1A;
	v0 =	vsel vm7, $0x1BF, v0;
	v1 =	vsel vm3, $0x15D, v1  }
0x1a: {  	v25 =	vunpack.c.0.s8.s32 v3;
	v3 =	vimm.s32 $0xFCDBBA99;
	v57 =	vsel vm8, $0x1C0, v0  }
0x1b: {  	v22 =	vsel vm5, $0x17E, v1;
	v1 =	vnsel vm4, $0x1E3, v23;
	v3 =	vunpack.c.0.s8.s32 v3  }
0x1c: {  	v23 =	vimm.s32 $0x7E5D3C1B;
	v1 =	vsel vm0, v24, v1;
	v0 =	vsel vm6, $0x19F, v22  }
0x1d: {  	v2 =	vand.u32 $0xFF, v25;
	v24 =	vimm.s32 $0xE2C1A09F;
	v1 =	vsel vm1, $0x11C, v1  }
0x1e: {  	v0 =	vsel vm7, $0x1A0, v0;
	v2 =	vnsel vm4, $0x1E4, v2;
	v3 =	vand.u32 $0xFF, v3  }
0x1f: {  	v1 =	vsel vm2, $0x13D, v1;
	v48 =	vsel vm8, $0x1C1, v0;
	v27 =	vsel vm0, v3, v2  }
0x20: {  	v2 =	vunpack.c.0.s8.s32 v28;
	v3 =	vimm.s32 $0xFDDCBB9A;
	v1 =	vsel vm3, $0x15E, v1  }
0x21: {  	v28 =	vimm.s32 $0x605F3E1D;
	v3 =	vunpack.c.0.s8.s32 v3;
	v26 =	vsel vm5, $0x17F, v1  }
0x22: {  	v1 =	vsel vm1, $0x11D, v27;
	v30 =	vand.u32 $0xFF, v2;
	v0 =	vsel vm6, $0x180, v26  }
0x23: {  	v1 =	vsel vm2, $0x13E, v1;
	v31 =	vand.u32 $0xFF, v3;
	v3 =	vimm.s32 $0x7A593817  }
0x24: {  	v0 =	vsel vm7, $0x1A1, v0;
	v1 =	vsel vm3, $0x15F, v1;
	v45 =	vunpack.c.0.s8.s32 v3  }
0x25: {  	v3 =	vimm.s32 $0xFEDDBC9B;
	v29 =	vsel vm5, $0x160, v1;
	v1 =	vnsel vm4, $0x1E5, v30  }
0x26: {  	v58 =	vsel vm8, $0x1C2, v0;
	v3 =	vunpack.c.0.s8.s32 v3;
	v1 =	vsel vm0, v31, v1  }
0x27: {  	v0 =	vsel vm6, $0x181, v29;
	v2 =	vand.u32 $0xFF, v45;
	v31 =	vimm.s32 $0x61403F1E  }
0x28: {  	v1 =	vsel vm1, $0x11E, v1;
	v0 =	vsel vm7, $0x1A2, v0;
	v2 =	vnsel vm4, $0x1E6, v2  }
0x29: {  	v3 =	vand.u32 $0xFF, v3;
	v1 =	vsel vm2, $0x13F, v1;
	v59 =	vsel vm8, $0x1C3, v0  }
0x2a: {  	v52 =	vsel vm0, v3, v2;
	v2 =	vunpack.c.0.s8.s32 v53;
	v3 =	vimm.s32 $0x7C5B3A19  }
0x2b: {  	v53 =	vimm.s32 $0x14131211;
	v1 =	vsel vm3, $0x140, v1;
	v3 =	vunpack.c.0.s8.s32 v3  }
0x2c: {  	v49 =	vsel vm5, $0x161, v1;
	v1 =	vsel vm1, $0x11F, v52;
	v2 =	vand.u32 $0xFF, v2  }
0x2d: {  	v0 =	vsel vm6, $0x182, v49;
	v1 =	vsel vm2, $0x120, v1;
	v2 =	vnsel vm4, $0x1E7, v2  }
0x2e: {  	v8 =	vand.u32 $0xFF, v3;
	v3 =	vimm.s32 $0xE1C0BF9E;
	v49 =	vunpack.c.0.s8.s32 v5  }
0x2f: {  	v5 =	vimm.s32 $0x1A191817;
	v0 =	vsel vm7, $0x1A3, v0;
	v54 =	vsel vm3, $0x141, v1  }
0x30: {  	v1 =	vunpack.c.0.s8.s32 v55;
	v3 =	vunpack.c.0.s8.s32 v3;
	v55 =	vimm.s32 $0x1C1B1A19  }
0x31: {  	[tilespmem:$0x1FD70] =	vst v60;
	v5 =	vunpack.c.0.s8.s32 v5;
	v60 =	vsel vm8, $0x1C4, v0;
	v0 =	vsel vm5, $0x162, v54  }
0x32: {  	v54 =	vimm.s32 $0x18171615;
	v0 =	vsel vm6, $0x183, v0;
	v1 =	vand.u32 $0xFF, v1  }
0x33: {  	v3 =	vand.u32 $0xFF, v3;
	v0 =	vsel vm7, $0x1A4, v0;
	v1 =	vsel vm0, v1, v2  }
0x34: {  	v2 =	vand.u32 $0xFF, v56;
	v61 =	vsel vm8, $0x1C5, v0;
	v62 =	vsel vm1, $0x100, v1  }
0x35: {  	v1 =	vnsel vm4, $0x1E8, v8;
	v8 =	vimm.s32 $0x4030201;
	v0 =	vsel vm2, $0x121, v62  }
0x36: {  	v1 =	vsel vm0, v2, v1;
	v2 =	vunpack.c.0.s8.s32 v9;
	v9 =	vadd.s32 $0xF, v11  }
0x37: {  	v8 =	vunpack.c.0.s8.s32 v8;
	v0 =	vsel vm3, $0x142, v0;
	v1 =	vsel vm1, $0x101, v1  }
0x38: {  	v0 =	vsel vm5, $0x163, v0;
	v1 =	vsel vm2, $0x122, v1;
	v2 =	vand.u32 $0xFF, v2  }
0x39: {  	v0 =	vsel vm6, $0x184, v0;
	v1 =	vsel vm3, $0x143, v1;
	v2 =	vnsel vm4, $0x1E9, v2  }
0x3a: {  	v1 =	vsel vm5, $0x164, v1;
	v0 =	vsel vm7, $0x1A5, v0;
	v2 =	vsel vm0, v3, v2  }
0x3b: {  	v3 =	vimm.s32 $0x7F5E3D1C;
	v1 =	vsel vm6, $0x185, v1;
	v12 =	vsel vm8, $0x1C6, v0  }
0x3c: {  	v21 =	vsel vm1, $0x102, v2;
	v2 =	vunpack.c.0.s8.s32 v24;
	v3 =	vunpack.c.0.s8.s32 v3  }
0x3d: {  	v10 =	vsel vm7, $0x1A6, v1;
	v22 =	vsel vm2, $0x123, v21;
	v1 =	vunpack.c.0.s8.s32 v23  }
0x3e: {  	v23 =	vimm.s32 $0xA9876543;
	v13 =	vsel vm8, $0x1C7, v10;
	v0 =	vsel vm3, $0x144, v22  }
0x3f: {  	v2 =	vand.u32 $0xFF, v2;
	v3 =	vand.u32 $0xFF, v3;
	v10 =	vsel vm0, v7, v6  }
0x40: {  	v24 =	vunpack.c.l.s4.s8 v23;
	v1 =	vand.u32 $0xFF, v1;
	v25 =	vnsel vm4, $0x1EB, v3  }
0x41: {  	v3 =	vand.u32 $0xFF, v4;
	v0 =	vsel vm5, $0x165, v0;
	v4 =	vimm.s32 $0x6241201F  }
0x42: {  	v1 =	vnsel vm4, $0x1EA, v1;
	v0 =	vsel vm6, $0x186, v0;
	v4 =	vunpack.c.0.s8.s32 v4  }
0x43: {  	v1 =	vsel vm0, v2, v1;
	v2 =	vsel vm0, v3, v25;
	v0 =	vsel vm7, $0x1A7, v0  }
0x44: {  	v3 =	vimm.s32 $0xE4C3A281;
	v25 =	vimm.s32 $0x43218765;
	v1 =	vsel vm1, $0x103, v1  }
0x45: {  	v2 =	vsel vm1, $0x104, v2;
	v14 =	vsel vm8, $0x1C8, v0;
	v3 =	vunpack.c.0.s8.s32 v3  }
0x46: {  	v4 =	vand.u32 $0xFF, v4;
	v1 =	vsel vm2, $0x124, v1;
	v2 =	vsel vm2, $0x125, v2  }
0x47: {  	v1 =	vsel vm3, $0x145, v1;
	v27 =	vsel vm3, $0x146, v2;
	v2 =	vunpack.c.0.s8.s32 v28  }
0x48: {  	v30 =	vand.u32 $0xFF, v3;
	v3 =	vimm.s32 $0xE5C4A382;
	v28 =	vimm.s32 $0xC0B0A09  }
0x49: {  	v26 =	vsel vm5, $0x166, v1;
	v1 =	vsel vm5, $0x167, v27;
	v3 =	vunpack.c.0.s8.s32 v3  }
0x4a: {  	v0 =	vsel vm6, $0x187, v26;
	v1 =	vsel vm6, $0x188, v1;
	v29 =	vand.u32 $0xFF, v2  }
0x4b: {  	v2 =	vunpack.c.0.s8.s32 v31;
	v0 =	vsel vm7, $0x1A8, v0;
	v1 =	vsel vm7, $0x1A9, v1  }
0x4c: {  	v3 =	vand.u32 $0xFF, v3;
	v15 =	vsel vm8, $0x1C9, v0;
	v16 =	vsel vm8, $0x1CA, v1  }
0x4d: {  	v0 =	vnsel vm4, $0x1EC, v29;
	v45 =	vand.u32 $0xFF, v2;
	v2 =	vand.u32 $0xFF, v49  }
0x4e: {  	v29 =	vimm.s32 $0x15141312;
	v49 =	vimm.s32 $0x19181716;
	v1 =	vnsel vm4, $0x1ED, v45  }
0x4f: {  	v0 =	vsel vm0, v30, v0;
	v1 =	vsel vm0, v3, v1;
	v3 =	vnsel vm4, $0x1EE, v4  }
0x50: {  	v0 =	vsel vm1, $0x105, v0;
	v4 =	vimm.s32 $0x16151413;
	v1 =	vsel vm1, $0x106, v1  }
0x51: {  	v2 =	vsel vm0, v2, v3;
	v0 =	vsel vm2, $0x126, v0;
	v3 =	vimm.s32 $0x1F1E1D  }
0x52: {  	v4 =	vunpack.c.0.s8.s32 v4;
	v1 =	vsel vm2, $0x127, v1;
	v2 =	vsel vm1, $0x107, v2  }
0x53: {  	v0 =	vsel vm3, $0x147, v0;
	v3 =	vunpack.c.0.s8.s32 v3;
	v1 =	vsel vm3, $0x148, v1  }
0x54: {  	v2 =	vsel vm2, $0x128, v2;
	v0 =	vsel vm5, $0x168, v0;
	v4 =	vsel vm0, v5, v4  }
0x55: {  	v5 =	vsel vm0, v6, v5;
	v6 =	vimm.s32 $0x6543A987;
	v1 =	vsel vm5, $0x169, v1  }
0x56: {  	v2 =	vsel vm3, $0x149, v2;
	v0 =	vsel vm6, $0x189, v0;
	v22 =	vcombine.low v4, v10  }
0x57: {  	v62 =	vsel vm0, v8, v3;
	v8 =	vimm.s32 $0x6050403;
	v4 =	vimm.s32 $0x87654321  }
0x58: {  	v6 =	vunpack.c.l.s4.s8 v6;
	v1 =	vsel vm6, $0x18A, v1;
	v2 =	vsel vm5, $0x16A, v2  }
0x59: {  	v0 =	vsel vm7, $0x1AA, v0;
	v1 =	vsel vm7, $0x1AB, v1;
	v2 =	vsel vm6, $0x18B, v2  }
0x5a: {  	v17 =	vsel vm8, $0x1CB, v0;
	v0 =	vunpack.c.0.s8.s32 v53;
	v18 =	vsel vm8, $0x1CC, v1  }
0x5b: {  	v52 =	vsel vm7, $0x1AC, v2;
	v1 =	vunpack.c.0.s8.s32 v54;
	v2 =	vunpack.c.0.s8.s32 v55  }
0x5c: {  	v4 =	vunpack.c.l.s4.s8 v4;
	v27 =	vunpack.c.0.s8.s32 v6;
	v6 =	vunpack.c.0.s8.s32 v49  }
0x5d: {  	v53 =	vimm.s32 $0x1F1E1D1C;
	v0 =	vsel vm0, v1, v0;
	v56 =	vsel vm0, v3, v2  }
0x5e: {  	v4 =	vunpack.c.0.s8.s32 v4;
	v54 =	vimm.s32 $0x17161514;
	v0 =	vcombine.low v0, v56  }
0x5f: {  	v19 =	vsel vm8, $0x1CD, v52;
	v1 =	vsel vm0, v2, v1;
	v2 =	vunpack.c.0.s8.s32 v8  }
0x60: {  	v4 =	vand.u32 $0xF, v4;
	[tilespmem:$0x1FD90] =	vst v0;
	v0 =	vcombine.low v1, v62;
	v1 =	vunpack.c.l.s4.s8 v25  }
0x61: {  	v23 =	vcombine.low v56, v4;
	v4 =	vimm.s32 $0xE0D0C0B;
	v2 =	vsel vm0, v2, v7  }
0x62: {  	v2 =	vcombine.low v5, v2;
	[tilespmem:$0x1FDA0] =	vst v0;
	v0 =	vunpack.c.0.s8.s32 v24;
	v1 =	vunpack.c.0.s8.s32 v1  }
0x63: {  	v52 =	vimm.s32 $0x3020100;
	v4 =	vunpack.c.0.s8.s32 v4;
	v5 =	vimm.s32 $0x32107654  }
0x64: {  	[tilespmem:$0x1FDB0] =	vst v2;
	v2 =	vunpack.c.0.s8.s32 v28;
	v0 =	vand.u32 $0xF, v0;
	v26 =	vand.u32 $0xF, v1  }
0x65: {  	v1 =	vand.u32 $0xF, v27;
	v31 =	vcombine.low v10, v0;
	v0 =	vsel vm14, v26, v3  }
0x66: {  	v1 =	vsel vm14, v1, v7;
	v7 =	vunpack.c.0.s8.s32 v53;
	v24 =	vsel vm15, v2, v0  }
0x67: {  	v30 =	vsel vm15, v4, v1;
	v0 =	vunpack.c.0.s8.s32 v29;
	v4 =	vimm.s32 $0x1B1A1918  }
0x68: {  	v1 =	vunpack.c.0.s8.s32 v52;
	v2 =	vunpack.c.0.s8.s32 v54;
	v55 =	vunpack.c.0.s8.s32 v4  }
0x69: {  	[tilespmem:$0x1FD80] =	vst v9;
	v3 =	vimm.s32 $0x1001F1E;
	v4 =	vunpack.c.l.s4.s8 v5;
	v5 =	vimm.s32 $0x98765432  }
0x6a: {  	s4 =	rddreg [dreg:$0x0];
	[tilespmem:$0x1FDC0] =	vst v6;
	v0 =	vsel vm0, v6, v0;
	v56 =	vsel vm0, v1, v7;
	v62 =	vsel vm0, v55, v2  }
0x6b: {  	s5 =	rddreg [dreg:$0x1];
	v6 =	vunpack.c.0.s8.s32 v3;
	v3 =	vimm.s32 $0x54329876;
	[tilespmem:$0x1FDD0] =	vst v0;
	v0 =	vcombine.low v62, v56  }
0x6c: {  	s6 =	rddreg [dreg:$0x2];
	s2 =	simm.s32 $0x0;
	v49 =	vunpack.c.l.s4.s8 v5;
	[tilespmem:$0x1FDE0] =	vst v55;
	v28 =	vunpack.c.l.s4.s8 v3;
	v3 =	vimm.s32 $0x5040302  }
0x6d: {  	s1 =	srdreg.scid;
	[smem:$0x7FF] =	sst s2;
	v3 =	vunpack.c.0.s8.s32 v3;
	[tilespmem:$0x1FDF0] =	vst v0  }
0x6e: {  	s3 =	sand.u32 $0x1, s1;
	s1 =	rddreg [dreg:$0x3];
	v53 =	vunpack.c.0.s8.s32 v49;
	_ =	strace $0x80000047;
	[tilespmem:$0x1FE00] =	vst v7  }
0x6f: {  	v54 =	vsel vm0, v3, v6;
	[tilespmem:$0x1FE20] =	vst v6  }
0x70: {  	v56 =	vand.u32 $0xF, v53;
	[tilespmem:$0x1FE30] =	vst v54  }
0x71: {  	v62 =	vor.u32 $0x10, v11;
	[tilespmem:$0x1FE50] =	vst v56  }
0x72: {  	v45 =	vadd.s32 $0x3, v11;
	[tilespmem:$0x1FE60] =	vst v62  }
0x73: {  	v9 =	vadd.s32 $0x6, v11;
	[tilespmem:$0x1FE70] =	vst v45  }
0x74: {  	v10 =	vadd.s32 $0x2, v11;
	[tilespmem:$0x1FE80] =	vst v9  }
0x75: {  	[tilespmem:$0x1FE90] =	vst v10  }
0x76: {  	[tilespmem:$0x1FEA0] =	vst v13  }
0x77: {  	v25 =	vadd.s32 $0xA, v11;
	[tilespmem:$0x1FEB0] =	vst v15  }
0x78: {  	v26 =	vadd.s32 $0xE, v11;
	[tilespmem:$0x1FEC0] =	vst v25  }
0x79: {  	[tilespmem:$0x1FED0] =	vst v26  }
0x7a: {  	v21 =	vadd.s32 $0xB, v11;
	[tilespmem:$0x1FEE0] =	vst v14  }
0x7b: {  	v20 =	vadd.s32 $0x7, v11;
	[tilespmem:$0x1FEF0] =	vst v21  }
0x7c: {  	[tilespmem:$0x1FF00] =	vst v20  }
0x7d: {  	[tilespmem:$0x1FF10] =	vst v22  }
0x7e: {  	[tilespmem:$0x1FF20] =	vst v24  }
0x7f: {  	[tilespmem:$0x1FF30] =	vst v23  }
0x80: {  	[tilespmem:$0x1FF40] =	vst v19  }
0x81: {  	v32 =	vmul.u32 $0x21, v11;
	[tilespmem:$0x1FF60] =	vst v17  }
0x82: {  	[tilespmem:$0x1FF70] =	vst v18  }
0x83: {  	v39 =	vadd.s32 $0x1, v32;
	v40 =	vadd.s32 $0x2, v32;
	v41 =	vadd.s32 $0x3, v32;
	[tilespmem:$0x1FF80] =	vst v16  }
0x84: {  	v35 =	vadd.s32 $0x4, v32;
	v36 =	vadd.s32 $0x5, v32;
	v33 =	vadd.s32 $0x7, v32;
	[tilespmem:$0x1FFA0] =	vst v30  }
0x85: {  	s0 =	stileid.u32;
	v34 =	vadd.s32 $0x8, v32;
	v8 =	vunpack.c.0.s8.s32 v4;
	v4 =	vimm.s32 $0x76543210;
	[tilespmem:$0x1FFB0] =	vst v31  }
0x86: {  	s10 =	simm.s32 $0x10000;
	s7 =	sshll.u32 s0, $0x1;
	v63 =	vadd.s32 $0xF, v32;
	v27 =	vimm.s32 $0xB0A0908;
	v4 =	vunpack.c.l.s4.s8 v4;
	[tilespmem:$0x1FFC0] =	vst v34  }
0x87: {  	s11 =	simm.s32 $0x10008;
	s12 =	simm.s32 $0x10880;
	s7 =	sor.u32 s3, s7;
	v2 =	vand.u32 $0xF, v8;
	v1 =	vunpack.c.0.s8.s32 v28;
	v0 =	vunpack.c.0.s8.s32 v27;
	[tilespmem:$0x1FFD0] =	vst v33  }
0x88: {  	s13 =	simm.s32 $0x0;
	s3 =	ssub.s32 $0x2, s3;
	s8 =	sshll.u32 s7, $0x10;
	v29 =	vimm.s32 $0xD0C0B0A;
	v2 =	vsel vm14, v2, v7;
	v55 =	vunpack.c.0.s8.s32 v4;
	[tilespmem:$0x1FFE0] =	vst v63  }
0x89: {  	s9 =	sshrl.u32 s3, $0x1;
	p0 =	seq.s32 s7, $0x0;
	s31 =	sshll.u32 s7, $0xD;
	v1 =	vand.u32 $0xF, v1;
	[tilespmem:$0x1FFF0] =	vst v32;
	v7 =	vsel vm15, v0, v2;
	v0 =	vunpack.c.0.s8.s32 v29  }
0x8a: {  	v37 =	vadd.s32 $0x6, v32;
	s7 =	sshll.u32 s7, $0x8;
	s8 =	sadd.s32 $0xFFFFFFE0, s8;
	s9 =	ssub.s32 s3, s9;
	v52 =	vimm.s32 $0x1D1C1B1A;
	v1 =	vsel vm14, v1, v6;
	[tilespmem:$0x1FE40] =	vst v55  }
0x8b: {  	v38 =	vadd.s32 $0x9, v32;
	s3 =	sadd.s32 s4, s31;
	s5 =	sadd.s32 s5, s7;
	s8 =	sshrl.u32 s8, $0x3;
	[tilespmem:$0x1FF50] =	vst v7;
	v5 =	vsel vm15, v0, v1;
	v0 =	vunpack.c.0.s8.s32 v52  }
0x8c: {  	v42 =	vadd.s32 $0xA, v32;
	v43 =	vadd.s32 $0xB, v32;
	v44 =	vadd.s32 $0xC, v32;
	s6 =	sadd.s32 s6, s7;
	s7 =	smax.u32 s9, $0x1;
	s8 =	simm.s32 @p0 $0x0;
	[tilespmem:$0x1FF90] =	vst v5  }
0x8d: {  	v46 =	vadd.s32 $0xD, v32;
	v47 =	vadd.s32 $0xE, v32;
	v50 =	vadd.s32 $0x10, v32;
	s9 =	simm.s32 $0x11080;
	s4 =	sadd.s32 s4, s8;
	s8 =	simm.s32 $0x1;
	v4 =	vmovc v12;
	[tilespmem:$0x1FE10] =	vst v0  }
.LBB2_1:
0x8e: {  	[tilespmem:s2], [sflag:$0x1] =	stream.linear.gather [hbm4b:s3+s2], $0x10000, $0x38;
	[tilespmem:$0x11100] =	vst v63  }
0x8f: {  	_ =	swait.ge [sflag:s8], $0x10000  }
0x90: {  	[sflag:s8] =	ssyncset.done $0x0  }
0x91: {  	[sflag:s8] =	ssyncadd.s32 $0xFFFF0000  }
0x92: {  	[tilespmem:s9], [sflag:$0x1] =	stream.linear.gather [hbm4b:s4+s2], $0x20, $0x38;
	[tilespmem:$0x11100] =	vst v63  }
0x93: {  	_ =	swait.ge [sflag:s8], $0x20  }
0x94: {  	[sflag:s8] =	ssyncset.done $0x0  }
0x95: {  	[sflag:s8] =	ssyncadd.s32 $0xFFFFFFE0  }
0x96: {  	v0 =	vld [tilespmem:$0x11080]  }
0x97: {  	v1 =	vld [tilespmem:$0x11090];
	_ =	sdelay $0x3  }
0x98: {  	(xrf0) =	vmax.scan.msk.f32 $0xffff, v0  }
0x99: {  	(xrf0) =	vmax.scan.msk.f32 $0xffff, v1;
	_ =	sdelay $0x4  }
0x9a: {  	v2, _, _ =	vpop (xrf0)  }
0x9b: {  	(v2sf) =	vpush v2, $0xF;
	v56, _, _ =	vpop (xrf0)  }
0x9c: {  	(v2sf) =	vpush v56, $0xF;
	_ =	sdelay $0xc  }
0x9d: {  	v62 =	vld [tilespmem:$0x1FD60]  }
0x9e: {  	v49 =	vld [tilespmem:$0x1FD70];
	s14 =	spop (v2sf)  }
0x9f: {  	s15 =	spop (v2sf)  }
0xa0: {  	s14 =	smax.f32 s14, s15  }
0xa1: {  	vm1 =	veq.f32 v0, s14  }
0xa2: {  	vm2 =	veq.f32 v1, s14;
	v0 =	vnsel vm1, $0x80000020, v62  }
0xa3: {  	(xrf0) =	vmin.scan.msk.u32 $0xffff, v0;
	v0 =	vnsel vm2, $0x80000020, v49  }
0xa4: {  	(xrf0) =	vmin.scan.msk.u32 $0xffff, v0;
	_ =	sdelay $0x4  }
0xa5: {  	v52, _, _ =	vpop (xrf0)  }
0xa6: {  	(v2sf) =	vpush v52, $0xF;
	v53, _, _ =	vpop (xrf0)  }
0xa7: {  	(v2sf) =	vpush v53, $0xF;
	_ =	sdelay $0xd  }
0xa8: {  	s29 =	spop (v2sf)  }
0xa9: {  	s30 =	spop (v2sf)  }
0xaa: {  	v5 =	vimm.s32 $0x7;
	s14 =	sxor.u32 $0x80000000, s29;
	s15 =	sxor.u32 $0x80000000, s30  }
0xab: {  	v54 =	vor.u32 s2, v19;
	p1 =	slt.s32 s14, s15  }
0xac: {  	v55 =	vor.u32 s2, v18;
	s15 =	smov.u32 @p1 s14  }
0xad: {  	v56 =	vor.u32 s2, v17;
	s15 =	simm.s32 @p0 $0xFFFFFFFF  }
0xae: {  	v6 =	vor.u32 s2, v16;
	v3 =	vmov s15  }
0xaf: {  	v7 =	vor.u32 s2, v14;
	[tilespmem:v5+s10+$0x0] =	vst.idx.msk $0x1, v3  }
0xb0: {  	v62 =	vor.u32 s2, v13;
	v10 =	vld.idx.msk [tilespmem:v54+s2+$0x0], $0xffff  }
0xb1: {  	v8 =	vor.u32 s2, v4;
	v5 =	vld.idx.msk [tilespmem:v55+s2+$0x0], $0xffff  }
0xb2: {  	v49 =	vor.u32 s2, v32;
	v9 =	vld.idx.msk [tilespmem:v56+s2+$0x0], $0xffff  }
0xb3: {  	v11 =	vor.u32 s2, v58;
	v1 =	vld.idx.msk [tilespmem:v6+s2+$0x0], $0xffff  }
0xb4: {  	v12 =	vor.u32 s2, v57;
	v22 =	vld.idx.msk [tilespmem:v7+s2+$0x0], $0xffff  }
0xb5: {  	v13 =	vor.u32 s2, v51;
	v0 =	vld.idx.msk [tilespmem:v62+s2+$0x0], $0xffff  }
0xb6: {  	v52 =	vor.u32 s2, v47;
	v8 =	vld.idx.msk [tilespmem:v8+s2+$0x0], $0xffff  }
0xb7: {  	v3 =	vor.u32 s2, v15;
	v31 =	vld.idx.msk [tilespmem:v49+s2+$0x0], $0xffff  }
0xb8: {  	v20 =	vor.u32 s2, v33;
	v14 =	vld.idx.msk [tilespmem:v11+s2+$0x0], $0xffff  }
0xb9: {  	v53 =	vor.u32 s2, v34;
	v28 =	vld.idx.msk [tilespmem:v12+s2+$0x0], $0xffff  }
0xba: {  	v15 =	vor.u32 s2, v63;
	v24 =	vld.idx.msk [tilespmem:v13+s2+$0x0], $0xffff  }
0xbb: {  	v6 =	vor.u32 s2, v61;
	v29 =	vld.idx.msk [tilespmem:v52+s2+$0x0], $0xffff  }
0xbc: {  	v55 =	vld.idx.msk [tilespmem:v3+s2+$0x0], $0xffff;
	v3 =	vor.u32 s2, v60  }
0xbd: {  	v62 =	vor.u32 s2, v48;
	v56 =	vld.idx.msk [tilespmem:v20+s2+$0x0], $0xffff  }
0xbe: {  	v11 =	vor.u32 s2, v46;
	v23 =	vld.idx.msk [tilespmem:v53+s2+$0x0], $0xffff  }
0xbf: {  	v12 =	vor.u32 s2, v44;
	v27 =	vld.idx.msk [tilespmem:v15+s2+$0x0], $0xffff  }
0xc0: {  	v13 =	vor.u32 s2, v42;
	v26 =	vld.idx.msk [tilespmem:v6+s2+$0x0], $0xffff  }
0xc1: {  	v49 =	vld.idx.msk [tilespmem:v3+s2+$0x0], $0xffff;
	v3 =	vor.u32 s2, v50  }
0xc2: {  	v15 =	vor.u32 s2, v38;
	v62 =	vld.idx.msk [tilespmem:v62+s2+$0x0], $0xffff  }
0xc3: {  	v7 =	vmov v9;
	v9 =	vor.u32 s2, v59;
	v11 =	vld.idx.msk [tilespmem:v11+s2+$0x0], $0xffff  }
0xc4: {  	v17 =	vld.idx.msk [tilespmem:v12+s2+$0x0], $0xffff;
	v12 =	vor.u32 s2, v37  }
0xc5: {  	v18 =	vld.idx.msk [tilespmem:v13+s2+$0x0], $0xffff;
	v13 =	vor.u32 s2, v35  }
0xc6: {  	v19 =	vld.idx.msk [tilespmem:v3+s2+$0x0], $0xffff;
	v3 =	vor.u32 s2, v43  }
0xc7: {  	v21 =	vor.u32 s2, v36;
	v30 =	vld.idx.msk [tilespmem:v15+s2+$0x0], $0xffff  }
0xc8: {  	v20 =	vor.u32 s2, v40;
	v25 =	vld.idx.msk [tilespmem:v9+s2+$0x0], $0xffff  }
0xc9: {  	v2 =	vor.u32 s2, v39;
	v15 =	vld.idx.msk [tilespmem:v12+s2+$0x0], $0xffff  }
0xca: {  	[tilespmem:$0x1FD50] =	vst v22;
	v9 =	vld.idx.msk [tilespmem:v13+s2+$0x0], $0xffff  }
0xcb: {  	[tilespmem:$0x1FC60] =	vst v5;
	v16 =	vld.idx.msk [tilespmem:v3+s2+$0x0], $0xffff;
	v3 =	vor.u32 s2, v41  }
0xcc: {  	[tilespmem:$0x1FC70] =	vst v1;
	v13 =	vld.idx.msk [tilespmem:v21+s2+$0x0], $0xffff  }
0xcd: {  	[tilespmem:$0x1FC80] =	vst v0;
	v21 =	vmax.f32 v22, v55;
	v22 =	vld.idx.msk [tilespmem:v20+s2+$0x0], $0xffff  }
0xce: {  	v6 =	vmax.f32 v5, v10;
	v5 =	vmov v10;
	[tilespmem:$0x1FD30] =	vst v62;
	v12 =	vmax.f32 v1, v7;
	v20 =	vld.idx.msk [tilespmem:v2+s2+$0x0], $0xffff  }
0xcf: {  	v1 =	vmax.f32 v28, v62;
	v6 =	vmax.f32 v12, v6;
	v52 =	vmax.f32 v49, v26;
	v10 =	vmovc v49  }
0xd0: {  	v49 =	vmax.f32 v8, v0;
	v0 =	vmax.f32 v23, v30;
	v62 =	vmax.f32 v19, v24;
	v54 =	vld.idx.msk [tilespmem:v3+s2+$0x0], $0xffff  }
0xd1: {  	v53 =	vmax.f32 v14, v25;
	v2 =	vmax.f32 v9, v13;
	v62 =	vmax.f32 v62, v1  }
0xd2: {  	v1 =	vmax.f32 v15, v56;
	v3 =	vmax.f32 v49, v21;
	v49 =	vmax.f32 v29, v27  }
0xd3: {  	v12 =	vmax.f32 v31, v20;
	v52 =	vmax.f32 v53, v52;
	v2 =	vmax.f32 v2, v1  }
0xd4: {  	v21 =	vmax.f32 v62, v52;
	v52 =	vmax.f32 v17, v11;
	v53 =	vmax.f32 v18, v16  }
0xd5: {  	v52 =	vmax.f32 v52, v49;
	v49 =	vmovc v31;
	v31 =	vlaneseq.u32;
	v62 =	vmax.f32 v22, v54  }
0xd6: {  	v53 =	vmax.f32 v0, v53;
	v12 =	vmax.f32 v12, v62;
	v62 =	vadd.s32 $0x8, v31  }
0xd7: {  	v2 =	vmax.f32 v12, v2;
	v12 =	vmax.f32 v53, v52;
	v53 =	vadd.s32 $0x4, v31;
	[tilespmem:$0x1FCA0] =	vst v62  }
0xd8: {  	v52 =	vadd.s32 $0x1, v31;
	[tilespmem:$0x1FC90] =	vst v53  }
0xd9: {  	[tilespmem:$0x1FCB0] =	vst v52;
	v53 =	vadd.s32 $0x5, v31;
	v52 =	vld [tilespmem:$0x1FE00]  }
0xda: {  	v62 =	vadd.s32 $0x9, v31;
	[tilespmem:$0x1FCC0] =	vst v53;
	v53 =	vld [tilespmem:$0x1FDE0]  }
0xdb: {  	[tilespmem:$0x1FCD0] =	vst v62;
	v62 =	vld [tilespmem:$0x1FE40]  }
0xdc: {  	v3 =	vmax.f32 v3, v6  }
0xdd: {  	v6 =	vmax.f32 v21, v3;
	v2 =	vmax.f32 v2, v12  }
0xde: {  	vm0 =	vcmask $0x1F10;
	v21 =	vmax.f32 v2, v6  }
0xdf: {  	vm7 =	veq.f32 v54, v21;
	v54 =	vsel vm0, v52, v53;
	v53 =	vld [tilespmem:$0x1FE20]  }
0xe0: {  	vm4 =	veq.f32 v56, v21;
	v56 =	vadd.s32 $0xC, v31;
	v0 =	vcombine.low v54, v62;
	v54 =	vld [tilespmem:$0x1FE10]  }
0xe1: {  	[tilespmem:$0x1FCE0] =	vst v56;
	v56 =	vld [tilespmem:$0x1FDC0]  }
0xe2: {  	v62 =	vld [tilespmem:$0x1FDD0]  }
0xe3: {  	v52 =	vadd.s32 $0xD, v31  }
0xe4: {  	[tilespmem:$0x1FD00] =	vst v52;
	v52 =	vld [tilespmem:$0x1FE50]  }
0xe5: {  	v6 =	vsel vm0, v53, v54;
	v53 =	vld [tilespmem:$0x1FD80]  }
0xe6: {  	vm2 =	veq.f32 v9, v21;
	v9 =	vsel vm0, v54, v56;
	v54 =	vld [tilespmem:$0x1FD90]  }
0xe7: {  	[tilespmem:$0x1FCF0] =	vst v0;
	v56 =	vld [tilespmem:$0x1FE30];
	v0 =	vcombine.low v62, v6  }
0xe8: {  	v62 =	vld [tilespmem:$0x1FDA0]  }
0xe9: {  	vm3 =	veq.f32 v27, v21;
	[tilespmem:$0x1FD10] =	vst v0;
	v0 =	vcombine.low v6, v52;
	v52 =	vld [tilespmem:$0x1FDB0]  }
0xea: {  	vm5 =	veq.f32 v24, v21;
	v24 =	vnsel vm3, $0x20, v53;
	v53 =	vld [tilespmem:$0x1FE60]  }
0xeb: {  	v27 =	vnsel vm5, $0x20, v54;
	v54 =	vld [tilespmem:$0x1FD30]  }
0xec: {  	vm6 =	veq.f32 v25, v21;
	[tilespmem:$0x1FD20] =	vst v0;
	v0 =	vcombine.low v9, v56;
	v56 =	vld [tilespmem:$0x1FD50]  }
0xed: {  	vm5 =	veq.f32 v28, v21;
	v28 =	vnsel vm6, $0x20, v62;
	v62 =	vld [tilespmem:$0x1FDF0]  }
0xee: {  	s31 =	simm.s32 $0x7  }
0xef: {  	v12 =	vadd.s32 s31, v31;
	vm8 =	veq.f32 v26, v21;
	vm10 =	veq.f32 v23, v21  }
0xf0: {  	vm9 =	veq.f32 v29, v21;
	vm3 =	veq.f32 v30, v21;
	v25 =	vnsel vm8, $0x20, v52  }
0xf1: {  	s16 =	simm.s32 $0x17;
	s17 =	simm.s32 $0x10880;
	s18 =	simm.s32 $0x10008;
	vm6 =	veq.f32 v10, v21;
	v26 =	vmin.u32 v25, v0;
	v29 =	vmin.u32 v27, v53  }
0xf2: {  	s19 =	simm.s32 $0x0;
	s14 =	simm.s32 $0x10880;
	s15 =	simm.s32 $0x10008;
	[tilespmem:$0x1FD40] =	vst v0;
	vm11 =	veq.f32 v54, v21;
	vm8 =	veq.f32 v56, v21;
	v30 =	vmin.u32 v28, v62  }
.LBB2_2:
0xf3: {  	vm12 =	veq.f32 v49, v21;
	v49 =	vld [tilespmem:$0x1FFB0]  }
0xf4: {  	v53 =	vld [tilespmem:$0x1FFA0]  }
0xf5: {  	v54 =	vld [tilespmem:$0x1FC70]  }
0xf6: {  	v0 =	vimm.s32 $0x0;
	vm14 =	veq.f32 v55, v21;
	v55 =	vld [tilespmem:$0x1FF90]  }
0xf7: {  	vm0 =	veq.f32 v18, v21;
	v56 =	vimm.s32 $0x0;
	v2 =	vld [tilespmem:$0x1FD20];
	v0 =	vsel vm10, $0xFFFFFFFF, v0  }
0xf8: {  	v62 =	vimm.s32 $0x0;
	[tilespmem:$0x1FC50] =	vst v0;
	v0 =	vsel vm0, $0xFFFFFFFF, v56;
	v56 =	vld [tilespmem:$0x1FC80]  }
0xf9: {  	[tilespmem:$0x1FC20] =	vst v0;
	v0 =	vsel vm12, $0xFFFFFFFF, v62;
	v62 =	vld [tilespmem:$0x1FC60]  }
0xfa: {  	v3 =	vld [tilespmem:$0x1FC20]  }
0xfb: {  	v1 =	vnsel vm14, $0x20, v49;
	vm14 =	veq.f32 v5, v21;
	v5 =	vnsel vm7, $0x20, v45;
	v45 =	vld [tilespmem:$0x1FF10]  }
0xfc: {  	v52 =	vimm.s32 $0x0;
	vm7 =	veq.f32 v8, v21;
	v49 =	vld [tilespmem:$0x1FED0]  }
0xfd: {  	[tilespmem:$0x1FC40] =	vst v0;
	v0 =	vsel vm7, $0xFFFFFFFF, v52;
	v52 =	vld [tilespmem:$0x1FD10]  }
0xfe: {  	vm13 =	veq.f32 v7, v21;
	v7 =	vnsel vm14, $0x20, v53;
	v53 =	vld [tilespmem:$0x1FF00]  }
0xff: {  	vm14 =	veq.f32 v54, v21;
	v54 =	vld [tilespmem:$0x1FEF0]  }
0x100: {  	v8 =	vmin.u32 v7, v55;
	v55 =	vld [tilespmem:$0x1FD00]  }
0x101: {  	vm7 =	vmmov vm3;
	vm3 =	veq.f32 v56, v21;
	v56 =	vld [tilespmem:$0x1FE90]  }
0x102: {  	vm1 =	veq.f32 v14, v21;
	vm10 =	veq.f32 v62, v21;
	v62 =	vld [tilespmem:$0x1FCE0]  }
0x103: {  	vm0 =	veq.f32 v19, v21;
	v7 =	vsel vm10, v8, v7;
	v8 =	vnsel vm11, $0x20, v45;
	v45 =	vld [tilespmem:$0x1FF30]  }
0x104: {  	[tilespmem:$0x1FC30] =	vst v0;
	v0 =	vsel vm0, v29, v27;
	vm0 =	veq.f32 v15, v21;
	v15 =	vsel vm9, v49, v24;
	v49 =	vld [tilespmem:$0x1FF20]  }
0x105: {  	v10 =	vsel vm1, v30, v28;
	vm1 =	veq.f32 v16, v21;
	v16 =	vmin.u32 v8, v52;
	v52 =	vld [tilespmem:$0x1FEC0]  }
0x106: {  	vm15 =	veq.f32 v17, v21;
	v17 =	vnsel vm4, $0x20, v53;
	v53 =	vld [tilespmem:$0x1FF50]  }
0x107: {  	vm4 =	veq.f32 v11, v21;
	v11 =	vnsel vm1, $0x20, v54;
	v54 =	vld [tilespmem:$0x1FCB0]  }
0x108: {  	vm1 =	vnez.u8 v3;
	v3 =	vld [tilespmem:$0x1FC50]  }
0x109: {  	vm12 =	vmmov vm2;
	vm2 =	veq.f32 v22, v21;
	v15 =	vsel vm4, v55, v15;
	v55 =	vld [tilespmem:$0x1FE80]  }
0x10a: {  	v5 =	vsel vm2, v56, v5;
	v56 =	vld [tilespmem:$0x1FCF0]  }
0x10b: {  	v15 =	vsel vm15, v62, v15;
	v62 =	vld [tilespmem:$0x1FCC0]  }
0x10c: {  	v14 =	vmin.u32 v1, v2;
	v8 =	vsel vm5, v16, v8;
	v16 =	vnsel vm3, $0x20, v45;
	v45 =	vld [tilespmem:$0x1FCD0]  }
0x10d: {  	v1 =	vsel vm8, v14, v1;
	v14 =	vsel vm6, v26, v25;
	v18 =	vnsel vm13, $0x20, v49;
	v49 =	vld [tilespmem:$0x1FC30]  }
0x10e: {  	v10 =	vmin.u32 v10, v14;
	v19 =	vmin.u32 v18, v53;
	v53 =	vld [tilespmem:$0x1FC40]  }
0x10f: {  	vm10 =	veq.f32 v20, v21;
	v0 =	vmin.u32 v0, v8;
	v11 =	vsel vm1, v52, v11;
	v52 =	vld [tilespmem:$0x1FC90]  }
0x110: {  	v0 =	vmin.u32 v0, v10;
	v5 =	vsel vm10, v54, v5;
	vm1 =	veq.f32 v13, v21;
	v54 =	vld [tilespmem:$0x1FCA0]  }
0x111: {  	v13 =	vsel vm0, v55, v17;
	v14 =	vmin.u32 v16, v56;
	v17 =	vsel vm14, v19, v18  }
0x112: {  	v13 =	vsel vm1, v62, v13;
	v11 =	vsel vm7, v45, v11;
	vm0 =	vnez.u8 v49  }
0x113: {  	v45 =	vlaneseq.u32;
	v14 =	vsel vm0, v14, v16;
	vm0 =	vnez.u8 v53  }
0x114: {  	v7 =	vmin.u32 v17, v7;
	v5 =	vsel vm0, v45, v5;
	vm0 =	vnez.u8 v3  }
0x115: {  	v13 =	vsel vm12, v52, v13;
	v1 =	vmin.u32 v14, v1;
	v8 =	vsel vm0, v54, v11  }
0x116: {  	v5 =	vmin.u32 v5, v13;
	v1 =	vmin.u32 v1, v7;
	v8 =	vmin.u32 v8, v15  }
0x117: {  	v0 =	vmin.u32 v0, v1;
	v5 =	vmin.u32 v5, v8  }
0x118: {  	v56 =	vld [tilespmem:$0x1FF40];
	v0 =	vmin.u32 v5, v0  }
0x119: {  	v62 =	vld [tilespmem:$0x1FF70];
	[tilespmem:s15+$0x0] =	vst v0  }
0x11a: {  	v55 =	vld.idx.msk [tilespmem:v12+s10+$0x0], $0xffff  }
0x11b: {  	v52 =	vld [tilespmem:$0x1FF80]  }
0x11c: {  	s19 =	sadd.s32 $0x200, s19;
	v54 =	vld [tilespmem:$0x1FEB0]  }
0x11d: {  	v5 =	vor.u32 s19, v56;
	v56 =	vld [tilespmem:$0x1FEA0];
	_ =	sdelay $0x1  }
0x11e: {  	v7 =	vor.u32 s19, v62;
	vm1 =	vne.s32 v0, $0x0;
	vm0 =	vne.s32 v0, v55  }
0x11f: {  	v49 =	vld [tilespmem:$0x1FF60];
	v53 =	vimm.s32 $0x0;
	v8 =	vor.u32 s19, v52;
	vm0 =	vmand vm0, vm1  }
0x120: {  	v10 =	vor.u32 s19, v54;
	v1 =	vsel vm0, $0x1, v53  }
0x121: {  	v12 =	vor.u32 s19, v56;
	v55 =	vld [tilespmem:$0x1FEE0];
	[tilespmem:s14+$0x0] =	vst v1  }
0x122: {  	v14 =	vor.u32 s19, v61;
	v23 =	vld.idx.msk [tilespmem:v5+s2+$0x0], $0xffff  }
0x123: {  	v15 =	vor.u32 s19, v60;
	v62 =	vld.idx.msk [tilespmem:v7+s2+$0x0], $0xffff  }
0x124: {  	v16 =	vor.u32 s19, v57;
	v0 =	vor.u32 s19, v49;
	v49 =	vld.idx.msk [tilespmem:v8+s2+$0x0], $0xffff  }
0x125: {  	v17 =	vor.u32 s19, v51;
	v2 =	vld.idx.msk [tilespmem:v10+s2+$0x0], $0xffff  }
0x126: {  	v18 =	vor.u32 s19, v50;
	v3 =	vld.idx.msk [tilespmem:v12+s2+$0x0], $0xffff  }
0x127: {  	v27 =	vor.u32 s19, v63;
	v25 =	vld.idx.msk [tilespmem:v14+s2+$0x0], $0xffff  }
0x128: {  	v22 =	vor.u32 s19, v47;
	v30 =	vld.idx.msk [tilespmem:v15+s2+$0x0], $0xffff  }
0x129: {  	v28 =	vor.u32 s19, v43;
	v13 =	vor.u32 s19, v32;
	v32 =	vor.u32 s19, v34;
	v34 =	vld.idx.msk [tilespmem:v16+s2+$0x0], $0xffff  }
0x12a: {  	v29 =	vor.u32 s19, v33;
	v33 =	vor.u32 s19, v38;
	v52 =	vmov v38;
	v38 =	vld.idx.msk [tilespmem:v17+s2+$0x0], $0xffff  }
0x12b: {  	v19 =	vld.idx.msk [tilespmem:v18+s2+$0x0], $0xffff  }
0x12c: {  	v27 =	vld.idx.msk [tilespmem:v27+s2+$0x0], $0xffff  }
0x12d: {  	v56 =	vmov v44;
	v15 =	vor.u32 s19, v44;
	v44 =	vld.idx.msk [tilespmem:v22+s2+$0x0], $0xffff  }
0x12e: {  	v16 =	vld.idx.msk [tilespmem:v28+s2+$0x0], $0xffff;
	v11 =	vor.u32 s19, v55  }
0x12f: {  	v7 =	vor.u32 s19, v4;
	v33 =	vld.idx.msk [tilespmem:v33+s2+$0x0], $0xffff  }
0x130: {  	v12 =	vor.u32 s19, v58;
	v28 =	vld.idx.msk [tilespmem:v29+s2+$0x0], $0xffff  }
0x131: {  	v63 =	vor.u32 s19, v41;
	v5 =	vld.idx.msk [tilespmem:v0+s2+$0x0], $0xffff  }
0x132: {  	v55 =	vld.idx.msk [tilespmem:v13+s2+$0x0], $0xffff;
	v13 =	vor.u32 s19, v48  }
0x133: {  	v10 =	vld.idx.msk [tilespmem:v11+s2+$0x0], $0xffff;
	v11 =	vor.u32 s19, v59  }
0x134: {  	v8 =	vld.idx.msk [tilespmem:v7+s2+$0x0], $0xffff  }
0x135: {  	v0 =	vmov v48;
	v14 =	vld.idx.msk [tilespmem:v12+s2+$0x0], $0xffff;
	v12 =	vor.u32 s19, v42  }
0x136: {  	v48 =	vmovc v57;
	v57 =	vmov v41;
	v41 =	vld.idx.msk [tilespmem:v63+s2+$0x0], $0xffff;
	[tilespmem:$0x1FC60] =	vst v62;
	v21 =	vmax.f32 v62, v23;
	v62 =	vor.u32 s19, v40  }
0x137: {  	v20 =	vor.u32 s19, v46;
	v31 =	vld.idx.msk [tilespmem:v13+s2+$0x0], $0xffff  }
0x138: {  	v6 =	vmovc v50;
	[tilespmem:$0x1FC80] =	vst v3;
	v7 =	vmov v4;
	v4 =	vmov v37;
	v37 =	vor.u32 s19, v37;
	v26 =	vld.idx.msk [tilespmem:v11+s2+$0x0], $0xffff  }
0x139: {  	v17 =	vld.idx.msk [tilespmem:v15+s2+$0x0], $0xffff;
	v13 =	vmax.f32 v8, v3;
	v3 =	vmovc v60;
	v60 =	vmovc v58;
	v58 =	vmov v35;
	v35 =	vor.u32 s19, v35  }
0x13a: {  	v50 =	vmovc v39;
	v39 =	vor.u32 s19, v39;
	v1 =	vmovc v59;
	v59 =	vmov v36;
	v36 =	vor.u32 s19, v36;
	v18 =	vld.idx.msk [tilespmem:v12+s2+$0x0], $0xffff  }
0x13b: {  	v53 =	vmov v43;
	[tilespmem:$0x1FC70] =	vst v49;
	v24 =	vmax.f32 v49, v5;
	v22 =	vld.idx.msk [tilespmem:v62+s2+$0x0], $0xffff;
	v11 =	vmax.f32 v10, v2  }
0x13c: {  	v12 =	vmax.f32 v19, v38;
	v15 =	vmax.f32 v34, v31;
	v43 =	vmax.f32 v13, v11;
	v11 =	vld.idx.msk [tilespmem:v20+s2+$0x0], $0xffff  }
0x13d: {  	v49 =	vmax.f32 v30, v25;
	v12 =	vmax.f32 v12, v15;
	v15 =	vld.idx.msk [tilespmem:v37+s2+$0x0], $0xffff;
	v13 =	vmax.f32 v14, v26  }
0x13e: {  	v35 =	vld.idx.msk [tilespmem:v35+s2+$0x0], $0xffff;
	v13 =	vmax.f32 v13, v49  }
0x13f: {  	v29 =	vmax.f32 v12, v13;
	v13 =	vld.idx.msk [tilespmem:v36+s2+$0x0], $0xffff  }
0x140: {  	v20 =	vld.idx.msk [tilespmem:v39+s2+$0x0], $0xffff  }
0x141: {  	v32 =	vld.idx.msk [tilespmem:v32+s2+$0x0], $0xffff  }
0x142: {  	v9 =	vmov v51;
	v54 =	vmov v42;
	v21 =	vmax.f32 v24, v21  }
0x143: {  	v62 =	vmovc v46;
	v46 =	vmax.f32 v44, v27;
	v21 =	vmax.f32 v43, v21;
	v42 =	vmax.f32 v18, v16  }
0x144: {  	s20 =	smov.u32 s16;
	v51 =	vmovc v40;
	v37 =	vmax.f32 v17, v11;
	v39 =	vmax.f32 v15, v28;
	v40 =	vmax.f32 v35, v13  }
0x145: {  	v63 =	vmovc v47;
	v47 =	vmax.f32 v55, v20;
	v12 =	vadd.s32 s20, v45;
	v45 =	vmax.f32 v22, v41  }
0x146: {  	v43 =	vmovc v53;
	v36 =	vmax.f32 v32, v33;
	v37 =	vmax.f32 v37, v46;
	v24 =	vmax.f32 v47, v45  }
0x147: {  	v53 =	vld [tilespmem:$0x1FD80];
	v46 =	vmovc v62;
	v62 =	vmax.f32 v40, v39;
	v40 =	vmovc v51;
	v51 =	vmov v9;
	v9 =	vmax.f32 v36, v42  }
0x148: {  	v47 =	vmovc v63;
	v24 =	vmax.f32 v24, v62;
	v42 =	vmov v54;
	v54 =	vld [tilespmem:$0x1FD90];
	v63 =	vmax.f32 v9, v37  }
0x149: {  	v21 =	vmax.f32 v29, v21;
	v62 =	vld [tilespmem:$0x1FDA0];
	v24 =	vmax.f32 v24, v63  }
0x14a: {  	v21 =	vmax.f32 v24, v21  }
0x14b: {  	vm0 =	veq.f32 v27, v21;
	vm1 =	veq.f32 v38, v21;
	v38 =	vmov v52;
	v52 =	vld [tilespmem:$0x1FDB0]  }
0x14c: {  	v49 =	vmovc v55;
	v55 =	vmov v2;
	v39 =	vmov v50;
	v24 =	vnsel vm0, $0x20, v53;
	v53 =	vld [tilespmem:$0x1FE60]  }
0x14d: {  	v50 =	vmovc v6;
	v36 =	vmovc v59;
	v59 =	vmov v1;
	v27 =	vnsel vm1, $0x20, v54;
	vm0 =	veq.f32 v26, v21;
	v54 =	vld [tilespmem:$0x1FD40]  }
0x14e: {  	p1 =	sne.s32 s16, $0x7F7;
	v37 =	vmovc v4;
	v4 =	vmovc v7;
	v7 =	vmov v5;
	vm4 =	veq.f32 v28, v21;
	v28 =	vnsel vm0, $0x20, v62;
	v62 =	vld [tilespmem:$0x1FDF0]  }
.Ltmp0:
0x14f: {  	v45 =	vld [tilespmem:$0x1FE70];
	v5 =	vmovc v23;
	vm7 =	veq.f32 v41, v21;
	v41 =	vmovc v57;
	v57 =	vmov v48;
	vm2 =	veq.f32 v35, v21;
	(pc) =	sbr.rel @p1 .LBB2_2-.Ltmp0, $4  }
0x150: {  	v63 =	vld [tilespmem:$0x1FFE0];
	v48 =	vmovc v0;
	vm10 =	veq.f32 v32, v21;
	vm3 =	veq.f32 v33, v21;
	vm5 =	veq.f32 v34, v21  }
0x151: {  	v35 =	vmovc v58;
	v32 =	vld [tilespmem:$0x1FFF0];
	vm6 =	veq.f32 v30, v21;
	vm9 =	veq.f32 v44, v21;
	vm1 =	veq.f32 v25, v21  }
0x152: {  	s17 =	sadd.s32 $0x10, s17;
	s18 =	sadd.s32 $0x10, s18;
	v58 =	vmovc v60;
	v60 =	vmovc v3;
	v33 =	vld [tilespmem:$0x1FFD0];
	vm11 =	veq.f32 v31, v21;
	vm8 =	veq.f32 v10, v21;
	v25 =	vnsel vm1, $0x20, v52  }
0x153: {  	s16 =	sadd.s32 $0x10, s16;
	s15 =	smov.u32 s18;
	s14 =	smov.u32 s17;
	v34 =	vld [tilespmem:$0x1FFC0];
	v44 =	vmovc v56;
	v29 =	vmin.u32 v27, v53;
	v26 =	vmin.u32 v25, v54;
	v30 =	vmin.u32 v28, v62  }
0x154: {  	v62 =	vld [tilespmem:$0x1FFA0]  }
0x155: {  	v54 =	vld [tilespmem:$0x1FF90];
	_ =	sdelay $0x1  }
0x156: {  	v56 =	vld [tilespmem:$0x1FFB0]  }
0x157: {  	vm1 =	veq.f32 v5, v21;
	v0 =	vld [tilespmem:$0x1FC60]  }
0x158: {  	v52 =	vld [tilespmem:$0x1FF10];
	v5 =	vnsel vm1, $0x20, v62  }
0x159: {  	vm15 =	veq.f32 v14, v21;
	v14 =	vmin.u32 v5, v54;
	v54 =	vld [tilespmem:$0x1FE90]  }
0x15a: {  	v3 =	vld [tilespmem:$0x1FCB0]  }
0x15b: {  	vm0 =	veq.f32 v55, v21;
	v2 =	vld [tilespmem:$0x1FED0]  }
0x15c: {  	vm14 =	veq.f32 v19, v21;
	v10 =	vnsel vm7, $0x20, v45;
	v31 =	vld [tilespmem:$0x1FD20];
	vm13 =	veq.f32 v11, v21  }
0x15d: {  	v53 =	vld [tilespmem:$0x1FD00];
	v19 =	vsel vm14, v29, v27;
	vm14 =	veq.f32 v22, v21;
	vm7 =	veq.f32 v0, v21  }
0x15e: {  	v55 =	vld [tilespmem:$0x1FD10];
	v5 =	vsel vm7, v14, v5;
	vm7 =	veq.f32 v20, v21;
	v10 =	vsel vm14, v54, v10  }
0x15f: {  	v11 =	vsel vm6, v26, v25;
	vm6 =	veq.f32 v7, v21;
	v7 =	vsel vm7, v3, v10;
	v3 =	vld [tilespmem:$0x1FC70]  }
0x160: {  	v9 =	vnsel vm0, $0x20, v56;
	v56 =	vld [tilespmem:$0x1FC80]  }
0x161: {  	v24 =	vsel vm9, v2, v24;
	v6 =	vmin.u32 v9, v31;
	v31 =	vld [tilespmem:$0x1FF00]  }
0x162: {  	vm12 =	veq.f32 v16, v21;
	v16 =	vsel vm13, v53, v24;
	v53 =	vld [tilespmem:$0x1FF30]  }
0x163: {  	v14 =	vnsel vm11, $0x20, v52;
	v52 =	vld [tilespmem:$0x1FEF0]  }
0x164: {  	vm11 =	veq.f32 v3, v21;
	v3 =	vld [tilespmem:$0x1FCF0];
	_ =	sdelay $0x1  }
0x165: {  	v6 =	vsel vm8, v6, v9  }
0x166: {  	v2 =	vmin.u32 v14, v55;
	v27 =	vnsel vm4, $0x20, v31;
	vm4 =	veq.f32 v56, v21  }
0x167: {  	v2 =	vsel vm5, v2, v14;
	v9 =	vnsel vm12, $0x20, v52;
	v14 =	vnsel vm4, $0x20, v53;
	v52 =	vld [tilespmem:$0x1FE80]  }
0x168: {  	vm12 =	veq.f32 v13, v21;
	v13 =	vmin.u32 v14, v3;
	v3 =	vld [tilespmem:$0x1FCC0];
	_ =	sdelay $0x2  }
0x169: {  	vm9 =	veq.f32 v15, v21  }
0x16a: {  	v26 =	vld [tilespmem:$0x1FEC0];
	v53 =	vsel vm9, v52, v27  }
0x16b: {  	v10 =	vsel vm12, v3, v53;
	v3 =	vld [tilespmem:$0x1FCD0];
	_ =	sdelay $0x2  }
0x16c: {  	vm5 =	veq.f32 v18, v21  }
0x16d: {  	v9 =	vsel vm5, v26, v9  }
0x16e: {  	v9 =	vsel vm3, v3, v9;
	v3 =	vld [tilespmem:$0x1FC90];
	_ =	sdelay $0x1  }
0x16f: {  	v22 =	vld [tilespmem:$0x1FF20]  }
0x170: {  	v62 =	vld [tilespmem:$0x1FCE0]  }
0x171: {  	v54 =	vld [tilespmem:$0x1FF50]  }
0x172: {  	vm13 =	veq.f32 v49, v21;
	v10 =	vsel vm2, v3, v10;
	v3 =	vlaneseq.u32  }
0x173: {  	v7 =	vsel vm13, v3, v7;
	v3 =	vld [tilespmem:$0x1FCA0]  }
0x174: {  	v23 =	vsel vm15, v30, v28;
	vm15 =	veq.f32 v17, v21  }
0x175: {  	v1 =	vnsel vm6, $0x20, v22;
	vm8 =	veq.f32 v8, v21;
	v55 =	vmin.u32 v23, v11  }
0x176: {  	v0 =	vsel vm15, v62, v16;
	v2 =	vmin.u32 v19, v2;
	v15 =	vmin.u32 v1, v54  }
0x177: {  	v2 =	vmin.u32 v2, v55;
	v1 =	vsel vm11, v15, v1;
	v13 =	vsel vm8, v13, v14  }
0x178: {  	v1 =	vmin.u32 v1, v5;
	v5 =	vmin.u32 v13, v6;
	v3 =	vsel vm10, v3, v9  }
0x179: {  	v1 =	vmin.u32 v5, v1;
	v6 =	vmin.u32 v7, v10;
	v0 =	vmin.u32 v3, v0  }
0x17a: {  	v1 =	vmin.u32 v2, v1;
	v0 =	vmin.u32 v6, v0  }
0x17b: {  	v0 =	vmin.u32 v0, v1  }
0x17c: {  	[tilespmem:s15+$0x0] =	vst v0  }
0x17d: {  	v56 =	vld.idx.msk [tilespmem:v12+s10+$0x0], $0xffff;
	_ =	sdelay $0x4  }
0x17e: {  	vm15 =	vne.s32 v0, $0x0;
	vm14 =	vne.s32 v0, v56  }
0x17f: {  	v62 =	vimm.s32 $0x0;
	vm0 =	vmand vm14, vm15  }
0x180: {  	v0 =	vsel vm0, $0x1, v62  }
0x181: {  	[tilespmem:s14+$0x0] =	vst v0  }
0x182: {  	[hbm4b:s5+s2] =	stream.linear.scatter [tilespmem:s11], [sflag:$0x1], $0x800, $0x38;
	[tilespmem:$0x11100] =	vst v63  }
0x183: {  	_ =	swait.ge [sflag:s8], $0x800  }
0x184: {  	[sflag:s8] =	ssyncset.done $0x0  }
0x185: {  	[sflag:s8] =	ssyncadd.s32 $0xFFFFF800  }
0x186: {  	[hbm4b:s6+s2] =	stream.linear.scatter [tilespmem:s12], [sflag:$0x1], $0x800, $0x38;
	[tilespmem:$0x11100] =	vst v63  }
0x187: {  	_ =	swait.ge [sflag:s8], $0x800  }
0x188: {  	s13 =	sadd.s32 $0x1, s13;
	v13 =	vld [tilespmem:$0x1FEA0]  }
0x189: {  	p1 =	sne.s32 s13, s7;
	v14 =	vld [tilespmem:$0x1FEE0]  }
.Ltmp1:
0x18a: {  	v15 =	vld [tilespmem:$0x1FEB0];
	(pc) =	sbr.rel @p1 .LBB2_1-.Ltmp1, $4  }
0x18b: {  	v16 =	vld [tilespmem:$0x1FF80]  }
0x18c: {  	v17 =	vld [tilespmem:$0x1FF60]  }
0x18d: {  	[sflag:s8] =	ssyncset.done $0x0;
	v18 =	vld [tilespmem:$0x1FF70]  }
0x18e: {  	v19 =	vld [tilespmem:$0x1FF40];
	[sflag:s8] =	ssyncadd.s32 $0xFFFFF800  }
0x18f: {  	_ =	sfence.sel $0x180000  }
0x190: {  	[bflag:$0x0] =	sbarrier.arrive $0xFFFF  }
0x191: {  	p0 =	sne.s32 s0, $0x0;
	_ =	strace $0x90000047  }
0x192: {  	s0 =	sadd.s32 @!p0 $0x100000, s1;
	[bflag:$0x2] =	sbarrier.arrive $0xFFFF  }
0x193: {  	[sflag:s0] =	ssyncadd.tile.s32 @!p0 $0x1;
	_ =	shalt  }
.Lfunc_end2:
_tile_overlayer_lowered:
.L_overlay_start_2:
0x194: {  	(tag) =	ssettag $0x2  }
0x195: {  	s0 =	rddreg [dreg:$0x0];
	s2 =	stileid.u32  }
0x196: {  	s1 =	rddreg [dreg:$0x1];
	p0 =	sne.s32 s2, $0x0  }
0x197: {  	s3 =	rddreg [dreg:$0x2];
	[bflag:$0x3] =	sbarrier.arrive $0xFFFF;
	s2 =	simm.s32 @!p0 $0x1C01  }
0x198: {  	[timem:s3], [sflag:s2] =	dma.local @!p0 [hbm:s0], s1  }
0x199: {  	s0 =	simm.s32 @!p0 $0x1  }
0x19a: {  	_ =	swait.ge @!p0 [sflag:s0], s1  }
0x19b: {  	s1 =	ssub.s32 @!p0 $0x0, s1;
	[sflag:s0] =	ssyncset.done @!p0 $0x0  }
0x19c: {  	[sflag:s0] =	ssyncadd.s32 @!p0 s1  }
0x19d: {  	[bflag:$0x3] =	sbarrier.arrive $0xFFFF  }
0x19e: {  	_ =	shalt  }

</sc_bundles>
